<compile_context>
chip_gen: v7x
topology: tpu7x:2x2x1
jax: 0.10.2.dev20260603
libtpu: 0.0.44.dev20260713+nightly
codegen_flags: <defaults>
</compile_context>

<pallas_src>
import functools

import jax
import jax.numpy as jnp
from jax import lax
from jax.experimental import pallas as pl
from jax.experimental.pallas import tpu as pltpu
from jax.experimental.pallas import tpu_sc as plsc

_K = 512
_NC = 2
_NS = 16
_NW = _NC * _NS
_L = 16


def _vq_body(n_chunk, w_hbm, rank_hbm, x_hbm, out_hbm, part_hbm,
             w_v, rank_v, codes_v, mids_v, x_v, out_v, acc_v):
    wid = lax.axis_index("s") * _NC + lax.axis_index("c")
    base = wid * n_chunk
    pltpu.sync_copy(w_hbm, w_v)
    pltpu.sync_copy(rank_hbm, rank_v)
    pltpu.sync_copy(x_hbm.at[pl.ds(base, n_chunk)], x_v)

    lane = lax.iota(jnp.int32, _L)

    def place(c, carry):
        wv = w_v[pl.ds(c * _L, _L)]
        r16 = rank_v[pl.ds(c * _L, _L)] * _L
        for m in range(_L):
            slot = (lane + m) & (_L - 1)
            plsc.store_scatter(codes_v, [r16 + slot], wv)
        return carry

    plsc.parallel_loop(0, _K // _L, carry=jnp.int32(0))(place)

    def mid(c, carry):
        a = codes_v[pl.ds(c * _L, _L)]
        b = codes_v[pl.ds(c * _L + _L, _L)]
        mids_v[pl.ds(c * _L, _L)] = (a + b) * 0.5
        return carry

    plsc.parallel_loop(0, _K - 1, carry=jnp.int32(0))(mid)
    mids_v[pl.ds((_K - 1) * _L, _L)] = jnp.full((_L,), jnp.inf, jnp.float32)

    def body(i, acc):
        x = x_v[pl.ds(i * _L, _L)]
        j16 = lane
        for w in (256, 128, 64, 32, 16, 8, 4, 2, 1):
            m = plsc.load_gather(mids_v, [j16 + _L * (w - 1)])
            j16 = jnp.where(m <= x, j16 + _L * w, j16)
        q = plsc.load_gather(codes_v, [j16])
        d = x - q
        out_v[pl.ds(i * _L, _L)] = x + (q - x)
        return acc + d * d

    acc = plsc.parallel_loop(
        0, n_chunk // _L, unroll=7,
        carry=jnp.zeros((_L,), jnp.float32))(body)
    acc_v[...] = acc
    pltpu.sync_copy(out_v, out_hbm.at[pl.ds(base, n_chunk)])
    pltpu.sync_copy(acc_v, part_hbm.at[pl.ds(wid * _L, _L)])


def kernel(input, weight):
    shape = input.shape
    x = input.reshape(-1)
    n = x.size
    n_chunk = n // _NW
    w = weight.reshape(-1)
    ar = jnp.arange(_K)
    lt = w[None, :] < w[:, None]
    tie = (w[None, :] == w[:, None]) & (ar[None, :] < ar[:, None])
    rank = jnp.sum(lt | tie, axis=1).astype(jnp.int32)
    mesh = plsc.VectorSubcoreMesh(core_axis_name="c", subcore_axis_name="s")
    out, part = pl.kernel(
        functools.partial(_vq_body, n_chunk),
        out_type=(jax.ShapeDtypeStruct((n,), jnp.float32),
                  jax.ShapeDtypeStruct((_NW * _L,), jnp.float32)),
        mesh=mesh,
        compiler_params=pltpu.CompilerParams(needs_layout_passes=False),
        scratch_types=[
            pltpu.VMEM((_K,), jnp.float32),
            pltpu.VMEM((_K,), jnp.int32),
            pltpu.VMEM((_K * _L,), jnp.float32),
            pltpu.VMEM((_K * _L,), jnp.float32),
            pltpu.VMEM((n_chunk,), jnp.float32),
            pltpu.VMEM((n_chunk,), jnp.float32),
            pltpu.VMEM((_L,), jnp.float32),
        ],
    )(w, rank, x)
    loss = jnp.sum(part) / n
    return out.reshape(shape), loss, loss

# --- scband reference (transcript-rebuilt; emitter-appended) ---
"""Pipeline reference for scband-vector-quantizer-49314814492903 (READ-ONLY COPY).

The authoritative reference and input builder live on the scoring server;
editing this copy changes nothing except your own understanding.
"""

import jax, jax.numpy as jnp
import numpy as np


def setup_inputs(seed: int = 0):
    key = jax.random.key(seed)
    k1, k2 = jax.random.split(key)
    inp = jax.random.normal(k1, (4, 1, 224, 224), dtype=jnp.float32)
    # nn.Parameter(torch.rand(embedding_dim, num_embeddings)) -> uniform [0,1)
    weight = jax.random.uniform(k2, (1, 512), dtype=jnp.float32)
    return {"input": inp, "weight": weight}


def reference(input, weight):
    B, C, H, W = input.shape
    x_expanded = input[..., None]  # [B,C,H,W,1]
    dist = (x_expanded - weight) ** 2  # broadcast with weight [1,K] -> [B,C,H,W,K]
    argmin = jnp.argmin(dist, axis=-1)  # [B,C,H,W]
    shifted_shape = (B, H, W, C)
    quantized = jnp.take(weight.T, argmin.reshape(-1), axis=0).reshape(shifted_shape)
    quantized = jnp.transpose(quantized, (0, 3, 1, 2))  # [B,C,H,W]
    e_latent_loss = jnp.mean((input - jax.lax.stop_gradient(quantized)) ** 2)
    q_latent_loss = jnp.mean((quantized - jax.lax.stop_gradient(input)) ** 2)
    quantized_st = input + jax.lax.stop_gradient(quantized - input)
    return (quantized_st, q_latent_loss, e_latent_loss)

if __name__ == "__main__":
    import jax
    _d = setup_inputs()
    print(jax.jit(kernel)(*tuple(_d.values())))

</pallas_src>

<mosaic_0001>
#map = affine_map<(d0, d1) -> (0)>
module attributes {stable_mosaic.version = 14 : i64} {
  func.func @_vq_body(%arg0: i32, %arg1: i32, %arg2: memref<512xf32, #tpu.memory_space<hbm>>, %arg3: memref<512xi32, #tpu.memory_space<hbm>>, %arg4: memref<200704xf32, #tpu.memory_space<hbm>>, %arg5: memref<200704xf32, #tpu.memory_space<hbm>>, %arg6: memref<512xf32, #tpu.memory_space<hbm>>, %arg7: memref<512xf32, #tpu.memory_space<vmem>>, %arg8: memref<512xi32, #tpu.memory_space<vmem>>, %arg9: memref<8192xf32, #tpu.memory_space<vmem>>, %arg10: memref<8192xf32, #tpu.memory_space<vmem>>, %arg11: memref<6272xf32, #tpu.memory_space<vmem>>, %arg12: memref<6272xf32, #tpu.memory_space<vmem>>, %arg13: memref<16xf32, #tpu.memory_space<vmem>>) attributes {dimension_semantics = [#tpu.dimension_semantics<core_parallel>, #tpu.dimension_semantics<subcore_parallel>], iteration_bounds = array<i64: 2, 16>, scalar_prefetch = 0 : i64, scratch_operands = 7 : i64, tpu.core_type = #tpu.core_type<sc_vector_subcore>, window_params = [{transform_indices = #map}, {transform_indices = #map}, {transform_indices = #map}, {transform_indices = #map}, {transform_indices = #map}]} {
    %mul3A = arith.constant 2 : i32
    %mul3A_0 = arith.muli %arg1, %mul3A : i32
    %add3A = arith.addi %mul3A_0, %arg0 : i32
    %mul3A_1 = arith.constant 6272 : i32
    %mul3A_2 = arith.muli %add3A, %mul3A_1 : i32
    "tpu.region"() ({
      %run_scoped3A = tpu.sem_alloc : memref<!tpu.dma_semaphore, #tpu.memory_space<semaphore_mem>>
      tpu.enqueue_dma source(%arg2 : memref<512xf32, #tpu.memory_space<hbm>>) target(%arg7 : memref<512xf32, #tpu.memory_space<vmem>>) target_semaphore(%run_scoped3A : memref<!tpu.dma_semaphore, #tpu.memory_space<semaphore_mem>>)
      tpu.wait_dma2 semaphore(%run_scoped3A : memref<!tpu.dma_semaphore, #tpu.memory_space<semaphore_mem>>) src(%arg2 : memref<512xf32, #tpu.memory_space<hbm>>) dst(%arg7 : memref<512xf32, #tpu.memory_space<vmem>>)
      tpu.yield
    }) : () -> ()
    "tpu.region"() ({
      %run_scoped3A = tpu.sem_alloc : memref<!tpu.dma_semaphore, #tpu.memory_space<semaphore_mem>>
      tpu.enqueue_dma source(%arg3 : memref<512xi32, #tpu.memory_space<hbm>>) target(%arg8 : memref<512xi32, #tpu.memory_space<vmem>>) target_semaphore(%run_scoped3A : memref<!tpu.dma_semaphore, #tpu.memory_space<semaphore_mem>>)
      tpu.wait_dma2 semaphore(%run_scoped3A : memref<!tpu.dma_semaphore, #tpu.memory_space<semaphore_mem>>) src(%arg3 : memref<512xi32, #tpu.memory_space<hbm>>) dst(%arg8 : memref<512xi32, #tpu.memory_space<vmem>>)
      tpu.yield
    }) : () -> ()
    "tpu.region"() ({
      %run_scoped3A = tpu.sem_alloc : memref<!tpu.dma_semaphore, #tpu.memory_space<semaphore_mem>>
      %dma_start3A = tpu.memref_slice %arg4[%mul3A_2] : memref<200704xf32, #tpu.memory_space<hbm>> -> memref<6272xf32, #tpu.memory_space<hbm>>
      %dma_start3A_24 = tpu.memref_slice %arg4[%mul3A_2] : memref<200704xf32, #tpu.memory_space<hbm>> -> memref<6272xf32, #tpu.memory_space<hbm>>
      tpu.enqueue_dma source(%dma_start3A_24 : memref<6272xf32, #tpu.memory_space<hbm>>) target(%arg11 : memref<6272xf32, #tpu.memory_space<vmem>>) target_semaphore(%run_scoped3A : memref<!tpu.dma_semaphore, #tpu.memory_space<semaphore_mem>>)
      %dma_wait3A = tpu.memref_slice %arg4[%mul3A_2] : memref<200704xf32, #tpu.memory_space<hbm>> -> memref<6272xf32, #tpu.memory_space<hbm>>
      %dma_wait3A_25 = tpu.memref_slice %arg4[%mul3A_2] : memref<200704xf32, #tpu.memory_space<hbm>> -> memref<6272xf32, #tpu.memory_space<hbm>>
      tpu.wait_dma2 semaphore(%run_scoped3A : memref<!tpu.dma_semaphore, #tpu.memory_space<semaphore_mem>>) src(%dma_wait3A_25 : memref<6272xf32, #tpu.memory_space<hbm>>) dst(%arg11 : memref<6272xf32, #tpu.memory_space<vmem>>)
      tpu.yield
    }) : () -> ()
    %iota3A = tpu.iota {dimensions = array<i32: 0>} : vector<16xi32>
    %parallel_loop3A = arith.constant 0 : i32
    %parallel_loop3A_3 = arith.constant 32 : i32
    %parallel_loop3A_4 = arith.constant 1 : i32
    %parallel_loop3A_5 = arith.constant 0 : i32
    %parallel_loop3A_6 = scf.for %parallel_loop3A_24 = %parallel_loop3A to %parallel_loop3A_3 step %parallel_loop3A_4 iter_args(%parallel_loop3A_25 = %parallel_loop3A_5) -> (i32)  : i32 {
      %parallel_loop3A_26 = arith.constant 16 : i32
      %parallel_loop3A_27 = arith.muli %parallel_loop3A_24, %parallel_loop3A_26 : i32
      %parallel_loop3A_28 = arith.index_cast %parallel_loop3A_27 : i32 to index
      %parallel_loop3A_29 = tpu.vector_load %arg7[%parallel_loop3A_28] {strides = array<i32>} : memref<512xf32, #tpu.memory_space<vmem>>, vector<16xf32>,
      %parallel_loop3A_30 = arith.constant 16 : i32
      %parallel_loop3A_31 = arith.muli %parallel_loop3A_24, %parallel_loop3A_30 : i32
      %parallel_loop3A_32 = arith.index_cast %parallel_loop3A_31 : i32 to index
      %parallel_loop3A_33 = tpu.vector_load %arg8[%parallel_loop3A_32] {strides = array<i32>} : memref<512xi32, #tpu.memory_space<vmem>>, vector<16xi32>,
      %parallel_loop3A_34 = arith.constant 16 : i32
      %parallel_loop3A_35 = vector.broadcast %parallel_loop3A_34 : i32 to vector<16xi32>
      %parallel_loop3A_36 = arith.muli %parallel_loop3A_33, %parallel_loop3A_35 : vector<16xi32>
      %parallel_loop3A_37 = arith.constant 0 : i32
      %parallel_loop3A_38 = vector.broadcast %parallel_loop3A_37 : i32 to vector<16xi32>
      %parallel_loop3A_39 = arith.addi %iota3A, %parallel_loop3A_38 : vector<16xi32>
      %parallel_loop3A_40 = arith.constant 15 : i32
      %parallel_loop3A_41 = vector.broadcast %parallel_loop3A_40 : i32 to vector<16xi32>
      %parallel_loop3A_42 = arith.andi %parallel_loop3A_39, %parallel_loop3A_41 : vector<16xi32>
      %parallel_loop3A_43 = arith.addi %parallel_loop3A_36, %parallel_loop3A_42 : vector<16xi32>
      tpu.vector_store_idx %arg9[%parallel_loop3A_43], %parallel_loop3A_29 : memref<8192xf32, #tpu.memory_space<vmem>>[vector<16xi32>], vector<16xf32>,
      %parallel_loop3A_44 = arith.constant 1 : i32
      %parallel_loop3A_45 = vector.broadcast %parallel_loop3A_44 : i32 to vector<16xi32>
      %parallel_loop3A_46 = arith.addi %iota3A, %parallel_loop3A_45 : vector<16xi32>
      %parallel_loop3A_47 = arith.constant 15 : i32
      %parallel_loop3A_48 = vector.broadcast %parallel_loop3A_47 : i32 to vector<16xi32>
      %parallel_loop3A_49 = arith.andi %parallel_loop3A_46, %parallel_loop3A_48 : vector<16xi32>
      %parallel_loop3A_50 = arith.addi %parallel_loop3A_36, %parallel_loop3A_49 : vector<16xi32>
      tpu.vector_store_idx %arg9[%parallel_loop3A_50], %parallel_loop3A_29 : memref<8192xf32, #tpu.memory_space<vmem>>[vector<16xi32>], vector<16xf32>,
      %parallel_loop3A_51 = arith.constant 2 : i32
      %parallel_loop3A_52 = vector.broadcast %parallel_loop3A_51 : i32 to vector<16xi32>
      %parallel_loop3A_53 = arith.addi %iota3A, %parallel_loop3A_52 : vector<16xi32>
      %parallel_loop3A_54 = arith.constant 15 : i32
      %parallel_loop3A_55 = vector.broadcast %parallel_loop3A_54 : i32 to vector<16xi32>
      %parallel_loop3A_56 = arith.andi %parallel_loop3A_53, %parallel_loop3A_55 : vector<16xi32>
      %parallel_loop3A_57 = arith.addi %parallel_loop3A_36, %parallel_loop3A_56 : vector<16xi32>
      tpu.vector_store_idx %arg9[%parallel_loop3A_57], %parallel_loop3A_29 : memref<8192xf32, #tpu.memory_space<vmem>>[vector<16xi32>], vector<16xf32>,
      %parallel_loop3A_58 = arith.constant 3 : i32
      %parallel_loop3A_59 = vector.broadcast %parallel_loop3A_58 : i32 to vector<16xi32>
      %parallel_loop3A_60 = arith.addi %iota3A, %parallel_loop3A_59 : vector<16xi32>
      %parallel_loop3A_61 = arith.constant 15 : i32
      %parallel_loop3A_62 = vector.broadcast %parallel_loop3A_61 : i32 to vector<16xi32>
      %parallel_loop3A_63 = arith.andi %parallel_loop3A_60, %parallel_loop3A_62 : vector<16xi32>
      %parallel_loop3A_64 = arith.addi %parallel_loop3A_36, %parallel_loop3A_63 : vector<16xi32>
      tpu.vector_store_idx %arg9[%parallel_loop3A_64], %parallel_loop3A_29 : memref<8192xf32, #tpu.memory_space<vmem>>[vector<16xi32>], vector<16xf32>,
      %parallel_loop3A_65 = arith.constant 4 : i32
      %parallel_loop3A_66 = vector.broadcast %parallel_loop3A_65 : i32 to vector<16xi32>
      %parallel_loop3A_67 = arith.addi %iota3A, %parallel_loop3A_66 : vector<16xi32>
      %parallel_loop3A_68 = arith.constant 15 : i32
      %parallel_loop3A_69 = vector.broadcast %parallel_loop3A_68 : i32 to vector<16xi32>
      %parallel_loop3A_70 = arith.andi %parallel_loop3A_67, %parallel_loop3A_69 : vector<16xi32>
      %parallel_loop3A_71 = arith.addi %parallel_loop3A_36, %parallel_loop3A_70 : vector<16xi32>
      tpu.vector_store_idx %arg9[%parallel_loop3A_71], %parallel_loop3A_29 : memref<8192xf32, #tpu.memory_space<vmem>>[vector<16xi32>], vector<16xf32>,
      %parallel_loop3A_72 = arith.constant 5 : i32
      %parallel_loop3A_73 = vector.broadcast %parallel_loop3A_72 : i32 to vector<16xi32>
      %parallel_loop3A_74 = arith.addi %iota3A, %parallel_loop3A_73 : vector<16xi32>
      %parallel_loop3A_75 = arith.constant 15 : i32
      %parallel_loop3A_76 = vector.broadcast %parallel_loop3A_75 : i32 to vector<16xi32>
      %parallel_loop3A_77 = arith.andi %parallel_loop3A_74, %parallel_loop3A_76 : vector<16xi32>
      %parallel_loop3A_78 = arith.addi %parallel_loop3A_36, %parallel_loop3A_77 : vector<16xi32>
      tpu.vector_store_idx %arg9[%parallel_loop3A_78], %parallel_loop3A_29 : memref<8192xf32, #tpu.memory_space<vmem>>[vector<16xi32>], vector<16xf32>,
      %parallel_loop3A_79 = arith.constant 6 : i32
      %parallel_loop3A_80 = vector.broadcast %parallel_loop3A_79 : i32 to vector<16xi32>
      %parallel_loop3A_81 = arith.addi %iota3A, %parallel_loop3A_80 : vector<16xi32>
      %parallel_loop3A_82 = arith.constant 15 : i32
      %parallel_loop3A_83 = vector.broadcast %parallel_loop3A_82 : i32 to vector<16xi32>
      %parallel_loop3A_84 = arith.andi %parallel_loop3A_81, %parallel_loop3A_83 : vector<16xi32>
      %parallel_loop3A_85 = arith.addi %parallel_loop3A_36, %parallel_loop3A_84 : vector<16xi32>
      tpu.vector_store_idx %arg9[%parallel_loop3A_85], %parallel_loop3A_29 : memref<8192xf32, #tpu.memory_space<vmem>>[vector<16xi32>], vector<16xf32>,
      %parallel_loop3A_86 = arith.constant 7 : i32
      %parallel_loop3A_87 = vector.broadcast %parallel_loop3A_86 : i32 to vector<16xi32>
      %parallel_loop3A_88 = arith.addi %iota3A, %parallel_loop3A_87 : vector<16xi32>
      %parallel_loop3A_89 = arith.constant 15 : i32
      %parallel_loop3A_90 = vector.broadcast %parallel_loop3A_89 : i32 to vector<16xi32>
      %parallel_loop3A_91 = arith.andi %parallel_loop3A_88, %parallel_loop3A_90 : vector<16xi32>
      %parallel_loop3A_92 = arith.addi %parallel_loop3A_36, %parallel_loop3A_91 : vector<16xi32>
      tpu.vector_store_idx %arg9[%parallel_loop3A_92], %parallel_loop3A_29 : memref<8192xf32, #tpu.memory_space<vmem>>[vector<16xi32>], vector<16xf32>,
      %parallel_loop3A_93 = arith.constant 8 : i32
      %parallel_loop3A_94 = vector.broadcast %parallel_loop3A_93 : i32 to vector<16xi32>
      %parallel_loop3A_95 = arith.addi %iota3A, %parallel_loop3A_94 : vector<16xi32>
      %parallel_loop3A_96 = arith.constant 15 : i32
      %parallel_loop3A_97 = vector.broadcast %parallel_loop3A_96 : i32 to vector<16xi32>
      %parallel_loop3A_98 = arith.andi %parallel_loop3A_95, %parallel_loop3A_97 : vector<16xi32>
      %parallel_loop3A_99 = arith.addi %parallel_loop3A_36, %parallel_loop3A_98 : vector<16xi32>
      tpu.vector_store_idx %arg9[%parallel_loop3A_99], %parallel_loop3A_29 : memref<8192xf32, #tpu.memory_space<vmem>>[vector<16xi32>], vector<16xf32>,
      %parallel_loop3A_100 = arith.constant 9 : i32
      %parallel_loop3A_101 = vector.broadcast %parallel_loop3A_100 : i32 to vector<16xi32>
      %parallel_loop3A_102 = arith.addi %iota3A, %parallel_loop3A_101 : vector<16xi32>
      %parallel_loop3A_103 = arith.constant 15 : i32
      %parallel_loop3A_104 = vector.broadcast %parallel_loop3A_103 : i32 to vector<16xi32>
      %parallel_loop3A_105 = arith.andi %parallel_loop3A_102, %parallel_loop3A_104 : vector<16xi32>
      %parallel_loop3A_106 = arith.addi %parallel_loop3A_36, %parallel_loop3A_105 : vector<16xi32>
      tpu.vector_store_idx %arg9[%parallel_loop3A_106], %parallel_loop3A_29 : memref<8192xf32, #tpu.memory_space<vmem>>[vector<16xi32>], vector<16xf32>,
      %parallel_loop3A_107 = arith.constant 10 : i32
      %parallel_loop3A_108 = vector.broadcast %parallel_loop3A_107 : i32 to vector<16xi32>
      %parallel_loop3A_109 = arith.addi %iota3A, %parallel_loop3A_108 : vector<16xi32>
      %parallel_loop3A_110 = arith.constant 15 : i32
      %parallel_loop3A_111 = vector.broadcast %parallel_loop3A_110 : i32 to vector<16xi32>
      %parallel_loop3A_112 = arith.andi %parallel_loop3A_109, %parallel_loop3A_111 : vector<16xi32>
      %parallel_loop3A_113 = arith.addi %parallel_loop3A_36, %parallel_loop3A_112 : vector<16xi32>
      tpu.vector_store_idx %arg9[%parallel_loop3A_113], %parallel_loop3A_29 : memref<8192xf32, #tpu.memory_space<vmem>>[vector<16xi32>], vector<16xf32>,
      %parallel_loop3A_114 = arith.constant 11 : i32
      %parallel_loop3A_115 = vector.broadcast %parallel_loop3A_114 : i32 to vector<16xi32>
      %parallel_loop3A_116 = arith.addi %iota3A, %parallel_loop3A_115 : vector<16xi32>
      %parallel_loop3A_117 = arith.constant 15 : i32
      %parallel_loop3A_118 = vector.broadcast %parallel_loop3A_117 : i32 to vector<16xi32>
      %parallel_loop3A_119 = arith.andi %parallel_loop3A_116, %parallel_loop3A_118 : vector<16xi32>
      %parallel_loop3A_120 = arith.addi %parallel_loop3A_36, %parallel_loop3A_119 : vector<16xi32>
      tpu.vector_store_idx %arg9[%parallel_loop3A_120], %parallel_loop3A_29 : memref<8192xf32, #tpu.memory_space<vmem>>[vector<16xi32>], vector<16xf32>,
      %parallel_loop3A_121 = arith.constant 12 : i32
      %parallel_loop3A_122 = vector.broadcast %parallel_loop3A_121 : i32 to vector<16xi32>
      %parallel_loop3A_123 = arith.addi %iota3A, %parallel_loop3A_122 : vector<16xi32>
      %parallel_loop3A_124 = arith.constant 15 : i32
      %parallel_loop3A_125 = vector.broadcast %parallel_loop3A_124 : i32 to vector<16xi32>
      %parallel_loop3A_126 = arith.andi %parallel_loop3A_123, %parallel_loop3A_125 : vector<16xi32>
      %parallel_loop3A_127 = arith.addi %parallel_loop3A_36, %parallel_loop3A_126 : vector<16xi32>
      tpu.vector_store_idx %arg9[%parallel_loop3A_127], %parallel_loop3A_29 : memref<8192xf32, #tpu.memory_space<vmem>>[vector<16xi32>], vector<16xf32>,
      %parallel_loop3A_128 = arith.constant 13 : i32
      %parallel_loop3A_129 = vector.broadcast %parallel_loop3A_128 : i32 to vector<16xi32>
      %parallel_loop3A_130 = arith.addi %iota3A, %parallel_loop3A_129 : vector<16xi32>
      %parallel_loop3A_131 = arith.constant 15 : i32
      %parallel_loop3A_132 = vector.broadcast %parallel_loop3A_131 : i32 to vector<16xi32>
      %parallel_loop3A_133 = arith.andi %parallel_loop3A_130, %parallel_loop3A_132 : vector<16xi32>
      %parallel_loop3A_134 = arith.addi %parallel_loop3A_36, %parallel_loop3A_133 : vector<16xi32>
      tpu.vector_store_idx %arg9[%parallel_loop3A_134], %parallel_loop3A_29 : memref<8192xf32, #tpu.memory_space<vmem>>[vector<16xi32>], vector<16xf32>,
      %parallel_loop3A_135 = arith.constant 14 : i32
      %parallel_loop3A_136 = vector.broadcast %parallel_loop3A_135 : i32 to vector<16xi32>
      %parallel_loop3A_137 = arith.addi %iota3A, %parallel_loop3A_136 : vector<16xi32>
      %parallel_loop3A_138 = arith.constant 15 : i32
      %parallel_loop3A_139 = vector.broadcast %parallel_loop3A_138 : i32 to vector<16xi32>
      %parallel_loop3A_140 = arith.andi %parallel_loop3A_137, %parallel_loop3A_139 : vector<16xi32>
      %parallel_loop3A_141 = arith.addi %parallel_loop3A_36, %parallel_loop3A_140 : vector<16xi32>
      tpu.vector_store_idx %arg9[%parallel_loop3A_141], %parallel_loop3A_29 : memref<8192xf32, #tpu.memory_space<vmem>>[vector<16xi32>], vector<16xf32>,
      %parallel_loop3A_142 = arith.constant 15 : i32
      %parallel_loop3A_143 = vector.broadcast %parallel_loop3A_142 : i32 to vector<16xi32>
      %parallel_loop3A_144 = arith.addi %iota3A, %parallel_loop3A_143 : vector<16xi32>
      %parallel_loop3A_145 = arith.constant 15 : i32
      %parallel_loop3A_146 = vector.broadcast %parallel_loop3A_145 : i32 to vector<16xi32>
      %parallel_loop3A_147 = arith.andi %parallel_loop3A_144, %parallel_loop3A_146 : vector<16xi32>
      %parallel_loop3A_148 = arith.addi %parallel_loop3A_36, %parallel_loop3A_147 : vector<16xi32>
      tpu.vector_store_idx %arg9[%parallel_loop3A_148], %parallel_loop3A_29 : memref<8192xf32, #tpu.memory_space<vmem>>[vector<16xi32>], vector<16xf32>,
      scf.yield %parallel_loop3A_25 : i32
    } {sc.loop_unroll_factor = 1 : i64, sc.parallel_access}
    %parallel_loop3A_7 = arith.constant 0 : i32
    %parallel_loop3A_8 = arith.constant 511 : i32
    %parallel_loop3A_9 = arith.constant 1 : i32
    %parallel_loop3A_10 = arith.constant 0 : i32
    %parallel_loop3A_11 = scf.for %parallel_loop3A_24 = %parallel_loop3A_7 to %parallel_loop3A_8 step %parallel_loop3A_9 iter_args(%parallel_loop3A_25 = %parallel_loop3A_10) -> (i32)  : i32 {
      %parallel_loop3A_26 = arith.constant 16 : i32
      %parallel_loop3A_27 = arith.muli %parallel_loop3A_24, %parallel_loop3A_26 : i32
      %parallel_loop3A_28 = arith.index_cast %parallel_loop3A_27 : i32 to index
      %parallel_loop3A_29 = tpu.vector_load %arg9[%parallel_loop3A_28] {strides = array<i32>} : memref<8192xf32, #tpu.memory_space<vmem>>, vector<16xf32>,
      %parallel_loop3A_30 = arith.constant 16 : i32
      %parallel_loop3A_31 = arith.muli %parallel_loop3A_24, %parallel_loop3A_30 : i32
      %parallel_loop3A_32 = arith.constant 16 : i32
      %parallel_loop3A_33 = arith.addi %parallel_loop3A_31, %parallel_loop3A_32 : i32
      %parallel_loop3A_34 = arith.index_cast %parallel_loop3A_33 : i32 to index
      %parallel_loop3A_35 = tpu.vector_load %arg9[%parallel_loop3A_34] {strides = array<i32>} : memref<8192xf32, #tpu.memory_space<vmem>>, vector<16xf32>,
      %parallel_loop3A_36 = arith.addf %parallel_loop3A_29, %parallel_loop3A_35 : vector<16xf32>
      %parallel_loop3A_37 = arith.constant 5.000000e-01 : f32
      %parallel_loop3A_38 = vector.broadcast %parallel_loop3A_37 : f32 to vector<16xf32>
      %parallel_loop3A_39 = arith.mulf %parallel_loop3A_36, %parallel_loop3A_38 : vector<16xf32>
      %parallel_loop3A_40 = arith.constant 16 : i32
      %parallel_loop3A_41 = arith.muli %parallel_loop3A_24, %parallel_loop3A_40 : i32
      %parallel_loop3A_42 = arith.index_cast %parallel_loop3A_41 : i32 to index
      %parallel_loop3A_43 = tpu.vector_load %arg10[%parallel_loop3A_42] {strides = array<i32>} : memref<8192xf32, #tpu.memory_space<vmem>>, vector<16xf32>,
      tpu.vector_store %arg10[%parallel_loop3A_42], %parallel_loop3A_39 {strides = array<i32>} : memref<8192xf32, #tpu.memory_space<vmem>>, vector<16xf32>,
      scf.yield %parallel_loop3A_25 : i32
    } {sc.loop_unroll_factor = 1 : i64, sc.parallel_access}
    %broadcast_in_dim3A = arith.constant 0x7F800000 : f32
    %broadcast_in_dim3A_12 = vector.broadcast %broadcast_in_dim3A : f32 to vector<16xf32>
    %swap3A = arith.constant 8176 : index
    %swap3A_13 = tpu.vector_load %arg10[%swap3A] {strides = array<i32>} : memref<8192xf32, #tpu.memory_space<vmem>>, vector<16xf32>,
    tpu.vector_store %arg10[%swap3A], %broadcast_in_dim3A_12 {strides = array<i32>} : memref<8192xf32, #tpu.memory_space<vmem>>, vector<16xf32>,
    %broadcast_in_dim3A_14 = arith.constant 0.000000e+00 : f32
    %broadcast_in_dim3A_15 = vector.broadcast %broadcast_in_dim3A_14 : f32 to vector<16xf32>
    %parallel_loop3A_16 = arith.constant 0 : i32
    %parallel_loop3A_17 = arith.constant 392 : i32
    %parallel_loop3A_18 = arith.constant 1 : i32
    %parallel_loop3A_19 = scf.for %parallel_loop3A_24 = %parallel_loop3A_16 to %parallel_loop3A_17 step %parallel_loop3A_18 iter_args(%parallel_loop3A_25 = %broadcast_in_dim3A_15) -> (vector<16xf32>)  : i32 {
      %parallel_loop3A_26 = arith.constant 16 : i32
      %parallel_loop3A_27 = arith.muli %parallel_loop3A_24, %parallel_loop3A_26 : i32
      %parallel_loop3A_28 = arith.index_cast %parallel_loop3A_27 : i32 to index
      %parallel_loop3A_29 = tpu.vector_load %arg11[%parallel_loop3A_28] {strides = array<i32>} : memref<6272xf32, #tpu.memory_space<vmem>>, vector<16xf32>,
      %parallel_loop3A_30 = arith.constant 4080 : i32
      %parallel_loop3A_31 = vector.broadcast %parallel_loop3A_30 : i32 to vector<16xi32>
      %parallel_loop3A_32 = arith.addi %iota3A, %parallel_loop3A_31 : vector<16xi32>
      %parallel_loop3A_33 = tpu.vector_load_idx %arg10[%parallel_loop3A_32] : memref<8192xf32, #tpu.memory_space<vmem>>[vector<16xi32>], vector<16xf32>,
      %parallel_loop3A_34 = arith.cmpf ole, %parallel_loop3A_33, %parallel_loop3A_29 : vector<16xf32>
      %parallel_loop3A_35 = arith.constant 4096 : i32
      %parallel_loop3A_36 = vector.broadcast %parallel_loop3A_35 : i32 to vector<16xi32>
      %parallel_loop3A_37 = arith.addi %iota3A, %parallel_loop3A_36 : vector<16xi32>
      %parallel_loop3A_38 = arith.select %parallel_loop3A_34, %parallel_loop3A_37, %iota3A : vector<16xi1>, vector<16xi32>
      %parallel_loop3A_39 = arith.constant 2032 : i32
      %parallel_loop3A_40 = vector.broadcast %parallel_loop3A_39 : i32 to vector<16xi32>
      %parallel_loop3A_41 = arith.addi %parallel_loop3A_38, %parallel_loop3A_40 : vector<16xi32>
      %parallel_loop3A_42 = tpu.vector_load_idx %arg10[%parallel_loop3A_41] : memref<8192xf32, #tpu.memory_space<vmem>>[vector<16xi32>], vector<16xf32>,
      %parallel_loop3A_43 = arith.cmpf ole, %parallel_loop3A_42, %parallel_loop3A_29 : vector<16xf32>
      %parallel_loop3A_44 = arith.constant 2048 : i32
      %parallel_loop3A_45 = vector.broadcast %parallel_loop3A_44 : i32 to vector<16xi32>
      %parallel_loop3A_46 = arith.addi %parallel_loop3A_38, %parallel_loop3A_45 : vector<16xi32>
      %parallel_loop3A_47 = arith.select %parallel_loop3A_43, %parallel_loop3A_46, %parallel_loop3A_38 : vector<16xi1>, vector<16xi32>
      %parallel_loop3A_48 = arith.constant 1008 : i32
      %parallel_loop3A_49 = vector.broadcast %parallel_loop3A_48 : i32 to vector<16xi32>
      %parallel_loop3A_50 = arith.addi %parallel_loop3A_47, %parallel_loop3A_49 : vector<16xi32>
      %parallel_loop3A_51 = tpu.vector_load_idx %arg10[%parallel_loop3A_50] : memref<8192xf32, #tpu.memory_space<vmem>>[vector<16xi32>], vector<16xf32>,
      %parallel_loop3A_52 = arith.cmpf ole, %parallel_loop3A_51, %parallel_loop3A_29 : vector<16xf32>
      %parallel_loop3A_53 = arith.constant 1024 : i32
      %parallel_loop3A_54 = vector.broadcast %parallel_loop3A_53 : i32 to vector<16xi32>
      %parallel_loop3A_55 = arith.addi %parallel_loop3A_47, %parallel_loop3A_54 : vector<16xi32>
      %parallel_loop3A_56 = arith.select %parallel_loop3A_52, %parallel_loop3A_55, %parallel_loop3A_47 : vector<16xi1>, vector<16xi32>
      %parallel_loop3A_57 = arith.constant 496 : i32
      %parallel_loop3A_58 = vector.broadcast %parallel_loop3A_57 : i32 to vector<16xi32>
      %parallel_loop3A_59 = arith.addi %parallel_loop3A_56, %parallel_loop3A_58 : vector<16xi32>
      %parallel_loop3A_60 = tpu.vector_load_idx %arg10[%parallel_loop3A_59] : memref<8192xf32, #tpu.memory_space<vmem>>[vector<16xi32>], vector<16xf32>,
      %parallel_loop3A_61 = arith.cmpf ole, %parallel_loop3A_60, %parallel_loop3A_29 : vector<16xf32>
      %parallel_loop3A_62 = arith.constant 512 : i32
      %parallel_loop3A_63 = vector.broadcast %parallel_loop3A_62 : i32 to vector<16xi32>
      %parallel_loop3A_64 = arith.addi %parallel_loop3A_56, %parallel_loop3A_63 : vector<16xi32>
      %parallel_loop3A_65 = arith.select %parallel_loop3A_61, %parallel_loop3A_64, %parallel_loop3A_56 : vector<16xi1>, vector<16xi32>
      %parallel_loop3A_66 = arith.constant 240 : i32
      %parallel_loop3A_67 = vector.broadcast %parallel_loop3A_66 : i32 to vector<16xi32>
      %parallel_loop3A_68 = arith.addi %parallel_loop3A_65, %parallel_loop3A_67 : vector<16xi32>
      %parallel_loop3A_69 = tpu.vector_load_idx %arg10[%parallel_loop3A_68] : memref<8192xf32, #tpu.memory_space<vmem>>[vector<16xi32>], vector<16xf32>,
      %parallel_loop3A_70 = arith.cmpf ole, %parallel_loop3A_69, %parallel_loop3A_29 : vector<16xf32>
      %parallel_loop3A_71 = arith.constant 256 : i32
      %parallel_loop3A_72 = vector.broadcast %parallel_loop3A_71 : i32 to vector<16xi32>
      %parallel_loop3A_73 = arith.addi %parallel_loop3A_65, %parallel_loop3A_72 : vector<16xi32>
      %parallel_loop3A_74 = arith.select %parallel_loop3A_70, %parallel_loop3A_73, %parallel_loop3A_65 : vector<16xi1>, vector<16xi32>
      %parallel_loop3A_75 = arith.constant 112 : i32
      %parallel_loop3A_76 = vector.broadcast %parallel_loop3A_75 : i32 to vector<16xi32>
      %parallel_loop3A_77 = arith.addi %parallel_loop3A_74, %parallel_loop3A_76 : vector<16xi32>
      %parallel_loop3A_78 = tpu.vector_load_idx %arg10[%parallel_loop3A_77] : memref<8192xf32, #tpu.memory_space<vmem>>[vector<16xi32>], vector<16xf32>,
      %parallel_loop3A_79 = arith.cmpf ole, %parallel_loop3A_78, %parallel_loop3A_29 : vector<16xf32>
      %parallel_loop3A_80 = arith.constant 128 : i32
      %parallel_loop3A_81 = vector.broadcast %parallel_loop3A_80 : i32 to vector<16xi32>
      %parallel_loop3A_82 = arith.addi %parallel_loop3A_74, %parallel_loop3A_81 : vector<16xi32>
      %parallel_loop3A_83 = arith.select %parallel_loop3A_79, %parallel_loop3A_82, %parallel_loop3A_74 : vector<16xi1>, vector<16xi32>
      %parallel_loop3A_84 = arith.constant 48 : i32
      %parallel_loop3A_85 = vector.broadcast %parallel_loop3A_84 : i32 to vector<16xi32>
      %parallel_loop3A_86 = arith.addi %parallel_loop3A_83, %parallel_loop3A_85 : vector<16xi32>
      %parallel_loop3A_87 = tpu.vector_load_idx %arg10[%parallel_loop3A_86] : memref<8192xf32, #tpu.memory_space<vmem>>[vector<16xi32>], vector<16xf32>,
      %parallel_loop3A_88 = arith.cmpf ole, %parallel_loop3A_87, %parallel_loop3A_29 : vector<16xf32>
      %parallel_loop3A_89 = arith.constant 64 : i32
      %parallel_loop3A_90 = vector.broadcast %parallel_loop3A_89 : i32 to vector<16xi32>
      %parallel_loop3A_91 = arith.addi %parallel_loop3A_83, %parallel_loop3A_90 : vector<16xi32>
      %parallel_loop3A_92 = arith.select %parallel_loop3A_88, %parallel_loop3A_91, %parallel_loop3A_83 : vector<16xi1>, vector<16xi32>
      %parallel_loop3A_93 = arith.constant 16 : i32
      %parallel_loop3A_94 = vector.broadcast %parallel_loop3A_93 : i32 to vector<16xi32>
      %parallel_loop3A_95 = arith.addi %parallel_loop3A_92, %parallel_loop3A_94 : vector<16xi32>
      %parallel_loop3A_96 = tpu.vector_load_idx %arg10[%parallel_loop3A_95] : memref<8192xf32, #tpu.memory_space<vmem>>[vector<16xi32>], vector<16xf32>,
      %parallel_loop3A_97 = arith.cmpf ole, %parallel_loop3A_96, %parallel_loop3A_29 : vector<16xf32>
      %parallel_loop3A_98 = arith.constant 32 : i32
      %parallel_loop3A_99 = vector.broadcast %parallel_loop3A_98 : i32 to vector<16xi32>
      %parallel_loop3A_100 = arith.addi %parallel_loop3A_92, %parallel_loop3A_99 : vector<16xi32>
      %parallel_loop3A_101 = arith.select %parallel_loop3A_97, %parallel_loop3A_100, %parallel_loop3A_92 : vector<16xi1>, vector<16xi32>
      %parallel_loop3A_102 = arith.constant 0 : i32
      %parallel_loop3A_103 = vector.broadcast %parallel_loop3A_102 : i32 to vector<16xi32>
      %parallel_loop3A_104 = arith.addi %parallel_loop3A_101, %parallel_loop3A_103 : vector<16xi32>
      %parallel_loop3A_105 = tpu.vector_load_idx %arg10[%parallel_loop3A_104] : memref<8192xf32, #tpu.memory_space<vmem>>[vector<16xi32>], vector<16xf32>,
      %parallel_loop3A_106 = arith.cmpf ole, %parallel_loop3A_105, %parallel_loop3A_29 : vector<16xf32>
      %parallel_loop3A_107 = arith.constant 16 : i32
      %parallel_loop3A_108 = vector.broadcast %parallel_loop3A_107 : i32 to vector<16xi32>
      %parallel_loop3A_109 = arith.addi %parallel_loop3A_101, %parallel_loop3A_108 : vector<16xi32>
      %parallel_loop3A_110 = arith.select %parallel_loop3A_106, %parallel_loop3A_109, %parallel_loop3A_101 : vector<16xi1>, vector<16xi32>
      %parallel_loop3A_111 = tpu.vector_load_idx %arg9[%parallel_loop3A_110] : memref<8192xf32, #tpu.memory_space<vmem>>[vector<16xi32>], vector<16xf32>,
      %parallel_loop3A_112 = arith.subf %parallel_loop3A_29, %parallel_loop3A_111 : vector<16xf32>
      %parallel_loop3A_113 = arith.subf %parallel_loop3A_111, %parallel_loop3A_29 : vector<16xf32>
      %parallel_loop3A_114 = arith.addf %parallel_loop3A_29, %parallel_loop3A_113 : vector<16xf32>
      %parallel_loop3A_115 = arith.constant 16 : i32
      %parallel_loop3A_116 = arith.muli %parallel_loop3A_24, %parallel_loop3A_115 : i32
      %parallel_loop3A_117 = arith.index_cast %parallel_loop3A_116 : i32 to index
      %parallel_loop3A_118 = tpu.vector_load %arg12[%parallel_loop3A_117] {strides = array<i32>} : memref<6272xf32, #tpu.memory_space<vmem>>, vector<16xf32>,
      tpu.vector_store %arg12[%parallel_loop3A_117], %parallel_loop3A_114 {strides = array<i32>} : memref<6272xf32, #tpu.memory_space<vmem>>, vector<16xf32>,
      %parallel_loop3A_119 = arith.mulf %parallel_loop3A_112, %parallel_loop3A_112 : vector<16xf32>
      %parallel_loop3A_120 = arith.addf %parallel_loop3A_25, %parallel_loop3A_119 : vector<16xf32>
      scf.yield %parallel_loop3A_120 : vector<16xf32>
    } {sc.loop_unroll_factor = 7 : i64, sc.parallel_access}
    %swap3A_20 = arith.constant 0 : index
    %swap3A_21 = tpu.vector_load %arg13[%swap3A_20] {strides = array<i32>} : memref<16xf32, #tpu.memory_space<vmem>>, vector<16xf32>,
    tpu.vector_store %arg13[%swap3A_20], %parallel_loop3A_19 {strides = array<i32>} : memref<16xf32, #tpu.memory_space<vmem>>, vector<16xf32>,
    "tpu.region"() ({
      %run_scoped3A = tpu.sem_alloc : memref<!tpu.dma_semaphore, #tpu.memory_space<semaphore_mem>>
      %dma_start3A = tpu.memref_slice %arg5[%mul3A_2] : memref<200704xf32, #tpu.memory_space<hbm>> -> memref<6272xf32, #tpu.memory_space<hbm>>
      %dma_start3A_24 = tpu.memref_slice %arg5[%mul3A_2] : memref<200704xf32, #tpu.memory_space<hbm>> -> memref<6272xf32, #tpu.memory_space<hbm>>
      tpu.enqueue_dma source(%arg12 : memref<6272xf32, #tpu.memory_space<vmem>>) target(%dma_start3A_24 : memref<6272xf32, #tpu.memory_space<hbm>>) target_semaphore(%run_scoped3A : memref<!tpu.dma_semaphore, #tpu.memory_space<semaphore_mem>>)
      %dma_wait3A = tpu.memref_slice %arg5[%mul3A_2] : memref<200704xf32, #tpu.memory_space<hbm>> -> memref<6272xf32, #tpu.memory_space<hbm>>
      %dma_wait3A_25 = tpu.memref_slice %arg5[%mul3A_2] : memref<200704xf32, #tpu.memory_space<hbm>> -> memref<6272xf32, #tpu.memory_space<hbm>>
      tpu.wait_dma2 semaphore(%run_scoped3A : memref<!tpu.dma_semaphore, #tpu.memory_space<semaphore_mem>>) src(%arg12 : memref<6272xf32, #tpu.memory_space<vmem>>) dst(%dma_wait3A_25 : memref<6272xf32, #tpu.memory_space<hbm>>)
      tpu.yield
    }) : () -> ()
    %mul3A_22 = arith.constant 16 : i32
    %mul3A_23 = arith.muli %add3A, %mul3A_22 : i32
    "tpu.region"() ({
      %run_scoped3A = tpu.sem_alloc : memref<!tpu.dma_semaphore, #tpu.memory_space<semaphore_mem>>
      %dma_start3A = tpu.memref_slice %arg6[%mul3A_23] : memref<512xf32, #tpu.memory_space<hbm>> -> memref<16xf32, #tpu.memory_space<hbm>>
      %dma_start3A_24 = tpu.memref_slice %arg6[%mul3A_23] : memref<512xf32, #tpu.memory_space<hbm>> -> memref<16xf32, #tpu.memory_space<hbm>>
      tpu.enqueue_dma source(%arg13 : memref<16xf32, #tpu.memory_space<vmem>>) target(%dma_start3A_24 : memref<16xf32, #tpu.memory_space<hbm>>) target_semaphore(%run_scoped3A : memref<!tpu.dma_semaphore, #tpu.memory_space<semaphore_mem>>)
      %dma_wait3A = tpu.memref_slice %arg6[%mul3A_23] : memref<512xf32, #tpu.memory_space<hbm>> -> memref<16xf32, #tpu.memory_space<hbm>>
      %dma_wait3A_25 = tpu.memref_slice %arg6[%mul3A_23] : memref<512xf32, #tpu.memory_space<hbm>> -> memref<16xf32, #tpu.memory_space<hbm>>
      tpu.wait_dma2 semaphore(%run_scoped3A : memref<!tpu.dma_semaphore, #tpu.memory_space<semaphore_mem>>) src(%arg13 : memref<16xf32, #tpu.memory_space<vmem>>) dst(%dma_wait3A_25 : memref<16xf32, #tpu.memory_space<hbm>>)
      tpu.yield
    }) : () -> ()
    return
  }
}

</mosaic_0001>

<sc_bundles>
// kernel: kernel.3.cloned.1.call-start
scs
__scs_entry_jumppad:
0x0: {  	(pc) =	sbr.rel $0x88, $3  }
0x1: {  	(tag) =	ssettag $0x0;
	lr =	simm.s32 $0x1  }
0x2: {  	[smem:$0x3F9F] =	sst lr;
	_ =	strace $0xD0000000  }
0x3: {  	_ = 	snop  }
0x4: {  	_ = 	snop  }
0x5: {  	_ = 	snop  }
0x6: {  	_ = 	snop  }
0x7: {  	_ = 	snop  }
__scs_overlays_trampoline_lowered:
0x8: {  	[smem:$0x3FAE] =	sst s0  }
0x9: {  	[smem:$0x3FAF] =	sst s1  }
0xa: {  	[smem:$0x3FB0] =	sst s2  }
0xb: {  	[smem:$0x3FB1] =	sst s3  }
0xc: {  	[smem:$0x3FB2] =	sst s4  }
0xd: {  	[smem:$0x3FB3] =	sst s5  }
0xe: {  	[smem:$0x3FB4] =	sst s6  }
0xf: {  	[smem:$0x3FB5] =	sst s7  }
0x10: {  	[smem:$0x3FB6] =	sst s8  }
0x11: {  	[smem:$0x3FB7] =	sst s9;
	s0 =	simm.s32 @!p0 $0x0  }
0x12: {  	s1 =	sld [smem:$0x3F9D];
	s0 =	simm.s32 @p0 $0x1  }
0x13: {  	[smem:$0x3FB8] =	sst s0;
	s0 =	simm.s32 @!p1 $0x0  }
0x14: {  	s2 =	sld [smem:$0x3F9C];
	s0 =	simm.s32 @p1 $0x1  }
0x15: {  	[smem:$0x3FB9] =	sst s0;
	s0 =	simm.s32 @!p2 $0x0  }
0x16: {  	s3 =	sld [smem:$0x3FDB];
	s0 =	simm.s32 @p2 $0x1  }
0x17: {  	s4 =	simm.s32 $0x1BF5;
	[smem:$0x3FBB] =	sst s0  }
0x18: {  	s0 =	sld [smem:$0x3F9E];
	_ =	swait.ge [sflag:s4], $0x0  }
0x19: {  	s7 =	sld [smem:$0x3F9F]  }
0x1a: {  	s8 =	sadd.s32 $0xFFFFE003, lr  }
0x1b: {  	s9 =	sadd.s32 $0xFFFFFEF7, lr;
	s5 =	simm.s32 $0xFFFFFFFF;
	p2 =	slt.u32 s8, $0xFFFFF086  }
0x1c: {  	p1 =	slt.u32 s9, $0xF7A;
	s5 =	simm.s32 @!p2 $0x0  }
0x1d: {  	s5 =	simm.s32 @p1 $0x1;
	p0 =	seq.s32 s7, s2  }
0x1e: {  	s7 =	smul.u32 @!p0 $0xF7A, s2;
	p2 =	seq.s32 @!p0 s5, $0x0  }
0x1f: {  	s9 =	smul.u32 $0xF7A, s1;
	s8 =	simm.s32 @!p0 $0x1BF5;
	p2 =	por !p2, p0  }
0x20: {  	[sflag:s8] =	ssyncset.s32 @!p0 $0xFFFFF086;
	s6 =	sadd.s32 @!p0 s3, s7;
	s7 =	simm.s32 @!p0 $0x108  }
0x21: {  	s3 =	sadd.s32 s3, s9;
	s6 =	sadd.s32 @!p0 $0x88, s6;
	s7 =	simm.s32 @p2 $0x1082  }
0x22: {  	[simem:s7], [sflag:s8] =	dma.local @!p0 [hbm:s6], $0xF7A  }
0x23: {  	s9 =	sor.u32 $0xD0000000, s2;
	s6 =	simm.s32 $0x108;
	_ =	swait.ge @!p0 [sflag:s8], $0x0  }
0x24: {  	s3 =	sadd.s32 $0x88, s3;
	s6 =	simm.s32 @!p1 $0x1082;
	[sflag:s4] =	ssyncset.s32 $0xFFFFF086  }
0x25: {  	[simem:s6], [sflag:s4] =	dma.local [hbm:s3], $0xF7A  }
0x26: {  	[smem:$0x3F9F] =	sst s1;
	(tag) =	ssettag s2;
	_ =	strace s9  }
0x27: {  	s1 =	sld [smem:$0x3FAF]  }
0x28: {  	s2 =	sld [smem:$0x3FB0]  }
0x29: {  	s4 =	sld [smem:$0x3FB2]  }
0x2a: {  	p0 =	seq.s32 s5, $0x0;
	s5 =	sld [smem:$0x3FB3]  }
0x2b: {  	s6 =	sld [smem:$0x3FB4]  }
0x2c: {  	s7 =	sld [smem:$0x3FB5]  }
0x2d: {  	s3 =	simm.s32 $0x108;
	s8 =	sld [smem:$0x3FB6]  }
0x2e: {  	s3 =	simm.s32 @!p0 $0x1082;
	s9 =	sld [smem:$0x3FB7]  }
0x2f: {  	lr =	sadd.s32 s0, s3;
	s0 =	sld [smem:$0x3FAE]  }
0x30: {  	s3 =	sld [smem:$0x3FB1]  }
0x31: {  	[smem:$0x3FBA] =	sst s10  }
0x32: {  	s10 =	sld [smem:$0x3FB8];
	_ =	sdelay $0x3  }
0x33: {  	p0 =	seq.s32 s10, $0x1;
	s10 =	sld [smem:$0x3FBA];
	_ =	sdelay $0x3  }
0x34: {  	[smem:$0x3FBA] =	sst s10  }
0x35: {  	s10 =	sld [smem:$0x3FB9];
	_ =	sdelay $0x3  }
0x36: {  	p1 =	seq.s32 s10, $0x1;
	s10 =	sld [smem:$0x3FBA];
	_ =	sdelay $0x3  }
0x37: {  	[smem:$0x3FBA] =	sst s10  }
0x38: {  	s10 =	sld [smem:$0x3FBB]  }
0x39: {  	_ = 	snop;
	(pc) =	sbr.ind lr, $3  }
0x3a: {  	_ = 	snop  }
0x3b: {  	_ = 	snop  }
0x3c: {  	p2 =	seq.s32 s10, $0x1;
	s10 =	sld [smem:$0x3FBA]  }
0x3d: {  	_ =	shalt  }
0x3e: {  	_ =	shalt  }
0x3f: {  	_ =	shalt  }
0x40: {  	_ =	shalt  }
0x41: {  	_ =	shalt  }
0x42: {  	_ =	shalt  }
0x43: {  	_ =	shalt  }
0x44: {  	_ =	shalt  }
0x45: {  	_ =	shalt  }
0x46: {  	_ =	shalt  }
0x47: {  	_ =	shalt  }
0x48: {  	_ =	shalt  }
0x49: {  	_ =	shalt  }
0x4a: {  	_ =	shalt  }
0x4b: {  	_ =	shalt  }
0x4c: {  	_ =	shalt  }
0x4d: {  	_ =	shalt  }
0x4e: {  	_ =	shalt  }
0x4f: {  	_ =	shalt  }
0x50: {  	_ =	shalt  }
0x51: {  	_ =	shalt  }
0x52: {  	_ =	shalt  }
0x53: {  	_ =	shalt  }
0x54: {  	_ =	shalt  }
0x55: {  	_ =	shalt  }
0x56: {  	_ =	shalt  }
0x57: {  	_ =	shalt  }
0x58: {  	_ =	shalt  }
0x59: {  	_ =	shalt  }
0x5a: {  	_ =	shalt  }
0x5b: {  	_ =	shalt  }
0x5c: {  	_ =	shalt  }
0x5d: {  	_ =	shalt  }
0x5e: {  	_ =	shalt  }
0x5f: {  	_ =	shalt  }
0x60: {  	_ =	shalt  }
0x61: {  	_ =	shalt  }
0x62: {  	_ =	shalt  }
0x63: {  	_ =	shalt  }
0x64: {  	_ =	shalt  }
0x65: {  	_ =	shalt  }
0x66: {  	_ =	shalt  }
0x67: {  	_ =	shalt  }
0x68: {  	_ =	shalt  }
0x69: {  	_ =	shalt  }
0x6a: {  	_ =	shalt  }
0x6b: {  	_ =	shalt  }
0x6c: {  	_ =	shalt  }
0x6d: {  	_ =	shalt  }
0x6e: {  	_ =	shalt  }
0x6f: {  	_ =	shalt  }
0x70: {  	_ =	shalt  }
0x71: {  	_ =	shalt  }
0x72: {  	_ =	shalt  }
0x73: {  	_ =	shalt  }
0x74: {  	_ =	shalt  }
0x75: {  	_ =	shalt  }
0x76: {  	_ =	shalt  }
0x77: {  	_ =	shalt  }
0x78: {  	_ =	shalt  }
0x79: {  	_ =	shalt  }
0x7a: {  	_ =	shalt  }
0x7b: {  	_ =	shalt  }
0x7c: {  	_ =	shalt  }
0x7d: {  	_ =	shalt  }
0x7e: {  	_ =	shalt  }
0x7f: {  	_ =	shalt  }
0x80: {  	_ =	shalt  }
0x81: {  	_ =	shalt  }
0x82: {  	_ =	shalt  }
0x83: {  	_ =	shalt  }
0x84: {  	_ =	shalt  }
0x85: {  	_ =	shalt  }
0x86: {  	_ =	shalt  }
0x87: {  	_ =	shalt  }
.Lfunc_end0:
.L_simem_size_0:
called_computation_lowered:
.L_overlay_start_0:
0x88: {  	s2 =	sld [smem:$0x3FD9]  }
0x89: {  	s3 =	sld [smem:$0x3FFE];
	_ =	sdelay $0x1  }
0x8a: {  	s1 =	srdreg.scid  }
0x8b: {  	s0 =	sand.u32 $0x1, s1  }
0x8c: {  	s14 =	sshll.u32 s0, $0xA;
	s2 =	sadd.s32 s3, s2  }
0x8d: {  	s2 =	sadd.s32 s2, s14  }
0x8e: {  	[smem:$0x3FC6] =	sst s2  }
0x8f: {  	_ = 	snop  }
0x90: {  	s2 =	sld [smem:$0x3FD0];
	_ =	sdelay $0x2  }
0x91: {  	s4 =	simm.s32 $0xA;
	s5 =	simm.s32 $0x10;
	s15 =	sld [smem:$0x3FC8]  }
0x92: {  	[smem:s5], [sflag:s4] =	dma.local [hbm:s2], $0x1  }
0x93: {  	_ =	swait.eq [sflag:s4], $0x1  }
0x94: {  	[sflag:s4] =	ssyncset.done $0x0  }
0x95: {  	[sflag:s4] =	ssyncadd.s32 $0xFFFFFFFF  }
0x96: {  	s16 =	sld [smem:$0x10];
	(tm) =	ssettm $0x1  }
0x97: {  	s17 =	sld [smem:$0x3FFB];
	_ =	sdelay $0x3  }
0x98: {  	_ =	strace s17  }
0x99: {  	s4 =	sld [smem:$0x3FFC];
	_ =	sdelay $0x3  }
0x9a: {  	_ =	strace s4  }
0x9b: {  	s4 =	sld [smem:$0x3FFD];
	_ =	sdelay $0x3  }
0x9c: {  	_ =	strace s4  }
0x9d: {  	_ =	strace $0x8FFFFFFF  }
0x9e: {  	s18 =	sld [smem:$0x3FDB];
	_ =	sdelay $0x1  }
0x9f: {  	s19 =	simm.s32 $_scs_section_size  }
0xa0: {  	s6 =	simm.s32 $_size__tile_overlayer_lowered;
	s7 =	simm.s32 $_tile_overlayer_lowered  }
0xa1: {  	s22 =	simm.s32 $0x1BFF;
	s21 =	sshll.u32 s7, $0x1;
	s4 =	sadd.s32 s19, s18  }
0xa2: {  	s8 =	simm.s32 $0x0;
	s20 =	sshll.u32 s6, $0x1;
	s6 =	sadd.s32 s21, s4  }
0xa3: {  	[timem:s8], [sflag:s22] =	dma.local [hbm:s6], s20  }
0xa4: {  	_ =	swait.ge [sflag:s22], s20  }
0xa5: {  	s5 =	ssub.s32 $0x0, s20;
	[sflag:s22] =	ssyncset.done $0x0  }
0xa6: {  	[sflag:s22] =	ssyncadd.s32 s5;
	_ =	sdelay $0x1  }
0xa7: {  	s23 =	simm.s32 $0x1B8B  }
0xa8: {  	_ =	swait.ge [sflag:s23], $0x1  }
0xa9: {  	[sflag:s23] =	ssyncset.done $0x0  }
0xaa: {  	s25 =	simm.s32 $0x1B8E;
	s24 =	sld [smem:$0x3FFE];
	[sflag:s23] =	ssyncadd.s32 $0xFFFFFFFF  }
0xab: {  	s26 =	simm.s32 $execute0_lowered;
	[smem:$0x3FD2] =	sst s25  }
0xac: {  	s6 =	sshll.u32 s26, $0x1;
	_ =	strace $0x80000046;
	[dreg:$0x1] =	wrdreg $0xFFFFFFFF  }
0xad: {  	s28 =	simm.s32 $_size_execute0_lowered;
	s4 =	sadd.s32 s4, s6;
	[dreg:$0x0] =	wrdreg $0x0  }
0xae: {  	s6 =	sshll.u32 s28, $0x1;
	[dreg:$0x2] =	wrdreg s4  }
0xaf: {  	[dreg:$0x3] =	wrdreg s6  }
0xb0: {  	[dreg:$0x4] =	wrdreg $0xC0  }
0xb1: {  	_ =	task [dreg:s8], $0x5FFFF  }
0xb2: {  	[dreg:$0x1] =	wrdreg $0xFFFFFFFF  }
0xb3: {  	[dreg:$0x0] =	wrdreg $0x60  }
0xb4: {  	[dreg:$0x2] =	wrdreg s15  }
0xb5: {  	[dreg:$0x3] =	wrdreg s24  }
0xb6: {  	[dreg:$0x4] =	wrdreg s16  }
0xb7: {  	[dreg:$0x5] =	wrdreg $0x9  }
0xb8: {  	_ =	task.clear_ibuf [dreg:s8], $0x6FFFF;
	_ =	strace $0x90000046  }
0xb9: {  	s29 =	simm.s32 $0x9;
	_ =	strace $0x80000048  }
0xba: {  	_ =	swait.ge [sflag:s29], $0x1  }
0xbb: {  	[sflag:s29] =	ssyncadd.s32 $0xFFFFFFFF  }
0xbc: {  	_ =	strace $0x90000048  }
0xbd: {  	_ =	sfence  }
0xbe: {  	s30 =	sld [smem:$0x0];
	_ =	sdelay $0x2  }
0xbf: {  	s31 =	sshll.u32 s1, $0xD;
	s1 =	sshrl.u32 s1, $0x2  }
0xc0: {  	s3 =	sand.u32 $0x4000, s31;
	s1 =	sadd.s32 s1, s30  }
0xc1: {  	s0 =	sor.u32 s3, s0;
	s1 =	sshll.u32 s1, $0x11  }
0xc2: {  	s0 =	sor.u32 s1, s0  }
0xc3: {  	s0 =	sadd.s32 $0x8F2B, s0  }
0xc4: {  	[sflag:s0] =	ssyncadd.remote.s32 $0x1  }
0xc5: {  	_ =	sfence.sel $0xFFFF  }
0xc6: {  	[dreg:$0x0] =	wrdreg $0xFFFFFFFF;
	(pc) =	sbr.abs _section_cstart, $3  }
0xc7: {  	[dreg:$0x1] =	wrdreg $0xFFFFFFFF  }
0xc8: {  	_ =	task.clear_ibuf [dreg:s8], $0x2FFFF;
	_ =	strace $0x9FFFFFFF  }
0xc9: {  	(tm) =	ssettm $0x7FFFFFFF  }
tec
execute0_lowered:
.L_overlay_start_1:
0x0: {  	(tag) =	ssettag $0x1  }
0x1: {  	v0 =	vimm.s32 $0xFEDCBA9;
	v1 =	vimm.s32 $0x87654321  }
0x2: {  	v2 =	vimm.s32 $0x10FEDCBA;
	v3 =	vimm.s32 $0x98765432;
	v4 =	vimm.s32 $0x210FEDCB  }
0x3: {  	v5 =	vimm.s32 $0xA9876543;
	v18 =	vimm.s32 $0x6543210F;
	v19 =	vimm.s32 $0xFEDCBA98  }
0x4: {  	v20 =	vimm.s32 $0xEDCBA987;
	v21 =	vimm.s32 $0x76543210;
	v0 =	vunpack.c.l.s4.s8 v0  }
0x5: {  	v1 =	vunpack.c.l.s4.s8 v1;
	v2 =	vunpack.c.l.s4.s8 v2;
	v3 =	vunpack.c.l.s4.s8 v3  }
0x6: {  	v4 =	vunpack.c.l.s4.s8 v4;
	v19 =	vunpack.c.l.s4.s8 v19;
	v18 =	vunpack.c.l.s4.s8 v18  }
0x7: {  	v20 =	vunpack.c.l.s4.s8 v20;
	v21 =	vunpack.c.l.s4.s8 v21;
	v8 =	vunpack.c.0.s8.s32 v0  }
0x8: {  	v9 =	vunpack.c.0.s8.s32 v1;
	v0 =	vlaneseq.u32;
	v10 =	vunpack.c.0.s8.s32 v2  }
0x9: {  	v2 =	vunpack.c.l.s4.s8 v5;
	v11 =	vunpack.c.0.s8.s32 v3;
	v12 =	vunpack.c.0.s8.s32 v4  }
0xa: {  	v3 =	vimm.s32 $0x3210FEDC;
	v4 =	vimm.s32 $0x43210FED;
	v5 =	vimm.s32 $0xCBA98765  }
0xb: {  	v18 =	vunpack.c.0.s8.s32 v18;
	v4 =	vunpack.c.l.s4.s8 v4;
	v5 =	vunpack.c.l.s4.s8 v5  }
0xc: {  	v1 =	vcombine.low v9, v8;
	v13 =	vunpack.c.0.s8.s32 v2;
	v2 =	vunpack.c.l.s4.s8 v3  }
0xd: {  	v3 =	vimm.s32 $0xBA987654;
	v6 =	vcombine.low v11, v10;
	v9 =	vcombine.low v8, v9  }
0xe: {  	v10 =	vcombine.low v10, v11;
	v3 =	vunpack.c.l.s4.s8 v3;
	v16 =	vunpack.c.0.s8.s32 v4  }
0xf: {  	v17 =	vunpack.c.0.s8.s32 v5;
	v5 =	vimm.s32 $0x543210FE;
	v1 =	vand.u32 $0xF, v1  }
0x10: {  	v7 =	vcombine.low v13, v12;
	v14 =	vunpack.c.0.s8.s32 v2;
	v2 =	vand.u32 $0xF, v6  }
0x11: {  	s0 =	rddreg [dreg:$0x0];
	v5 =	vunpack.c.l.s4.s8 v5;
	v11 =	vcombine.low v12, v13;
	v9 =	vand.u32 $0xF, v9  }
0x12: {  	s1 =	rddreg [dreg:$0x1];
	v10 =	vand.u32 $0xF, v10;
	v15 =	vunpack.c.0.s8.s32 v3;
	v6 =	vcombine.low v17, v16  }
0x13: {  	s3 =	srdreg.scid;
	s2 =	stileid.u32;
	v13 =	vcombine.low v16, v17;
	v17 =	vor.u32 $0xFF0, v0;
	v3 =	vand.u32 $0xF, v7  }
0x14: {  	s5 =	rddreg [dreg:$0x2];
	s4 =	simm.s32 $0x0;
	s11 =	simm.s32 $0x4400;
	v7 =	vimm.s32 $0xDCBA9876;
	v22 =	vunpack.c.0.s8.s32 v5;
	v5 =	vunpack.c.0.s8.s32 v19  }
0x15: {  	s12 =	simm.s32 $0x400;
	s13 =	simm.s32 $0x2400;
	s14 =	simm.s32 $0x5C80;
	v19 =	vunpack.c.0.s8.s32 v20;
	v11 =	vand.u32 $0xF, v11;
	v4 =	vcombine.low v15, v14  }
0x16: {  	s15 =	simm.s32 $0x7500;
	s6 =	sand.u32 $0x1, s3;
	s7 =	sshll.u32 s2, $0x1;
	v7 =	vunpack.c.l.s4.s8 v7;
	v12 =	vcombine.low v14, v15;
	v13 =	vand.u32 $0xF, v13  }
0x17: {  	s16 =	simm.s32 $0x0;
	s3 =	rddreg [dreg:$0x3];
	s7 =	sor.u32 s6, s7;
	v24 =	vcombine.low v19, v18;
	v15 =	vcombine.low v18, v19;
	v18 =	vor.u32 $0x1000, v0  }
0x18: {  	[smem:$0x7FF] =	sst s4;
	s6 =	ssub.s32 $0x2, s6;
	s8 =	smul.u32 $0x310, s7;
	v19 =	vor.u32 $0x7F0, v0;
	v23 =	vunpack.c.0.s8.s32 v7;
	v7 =	vunpack.c.0.s8.s32 v21  }
0x19: {  	_ =	strace $0x80000047;
	s7 =	sshll.u32 s7, $0x1;
	s9 =	sshrl.u32 s6, $0x1;
	[tilespmem:$0x1FFC0] =	vst v1;
	v4 =	vand.u32 $0xF, v4;
	v21 =	vand.u32 $0xF, v5;
	v5 =	vand.u32 $0xF, v6  }
0x1a: {  	s7 =	sadd.s32 s7, s1;
	s9 =	ssub.s32 s6, s9;
	s10 =	sadd.s32 s8, s1;
	[tilespmem:$0x1FFD0] =	vst v2;
	v12 =	vand.u32 $0xF, v12;
	v20 =	vcombine.low v23, v22;
	v14 =	vcombine.low v22, v23  }
0x1b: {  	s5 =	sadd.s32 s5, s8;
	s7 =	sadd.s32 $0x200, s7;
	s8 =	smax.u32 s9, $0x1;
	[tilespmem:$0x1FFE0] =	vst v3;
	v8 =	vand.u32 $0xF, v24;
	v15 =	vand.u32 $0xF, v15;
	v6 =	vcombine.low v21, v7  }
0x1c: {  	s9 =	simm.s32 $0x1;
	s6 =	sadd.s32 $0x400, s10;
	s10 =	simm.s32 $0x200;
	[tilespmem:$0x1FFF0] =	vst v4;
	v7 =	vand.u32 $0xF, v20;
	v14 =	vand.u32 $0xF, v14;
	v20 =	vor.u32 $0x3F0, v0  }
.LBB2_1:
0x1d: {  	[tilespmem:s4], [sflag:$0x1] =	stream.linear.gather [hbm4b:s0+s4], $0x200, $0x38;
	[tilespmem:$0x7580] =	vst v63  }
0x1e: {  	_ =	swait.ge [sflag:s9], $0x200  }
0x1f: {  	[sflag:s9] =	ssyncset.done $0x0  }
0x20: {  	[sflag:s9] =	ssyncadd.s32 $0xFFFFFE00  }
0x21: {  	[tilespmem:s10], [sflag:$0x1] =	stream.linear.gather [hbm4b:s1+s4], $0x200, $0x38;
	[tilespmem:$0x7580] =	vst v63  }
0x22: {  	_ =	swait.ge [sflag:s9], $0x200  }
0x23: {  	[sflag:s9] =	ssyncset.done $0x0  }
0x24: {  	[sflag:s9] =	ssyncadd.s32 $0xFFFFFE00  }
0x25: {  	[tilespmem:s11], [sflag:$0x1] =	stream.linear.gather [hbm4b:s5+s4], $0x1880, $0x38;
	[tilespmem:$0x7580] =	vst v63  }
0x26: {  	_ =	swait.ge [sflag:s9], $0x1880  }
0x27: {  	[sflag:s9] =	ssyncset.done $0x0  }
0x28: {  	s17 =	simm.s32 $0x0;
	[sflag:s9] =	ssyncadd.s32 $0xFFFFE780  }
0x29: {  	v21 =	vld [tilespmem:s17+$0x200];
	_ =	sdelay $0x4  }
0x2a: {  	v22 =	vshll.u32 v21, $0x4  }
0x2b: {  	v21 =	vld [tilespmem:s17+$0x0];
	v23 =	vor.u32 v0, v22  }
0x2c: {  	v24 =	vor.u32 v1, v22;
	_ =	sdelay $0x1  }
0x2d: {  	v26 =	vor.u32 v2, v22  }
0x2e: {  	v27 =	vor.u32 v3, v22  }
0x2f: {  	[tilespmem:v23+s12+$0x0] =	vst.idx.msk $0xffff, v21;
	v23 =	vor.u32 v4, v22  }
0x30: {  	[tilespmem:v24+s12+$0x0] =	vst.idx.msk $0xffff, v21;
	v24 =	vor.u32 v5, v22  }
0x31: {  	v25 =	vor.u32 v7, v22  }
0x32: {  	[tilespmem:v26+s12+$0x0] =	vst.idx.msk $0xffff, v21;
	v26 =	vor.u32 v8, v22  }
0x33: {  	s17 =	simm.s32 $0x40;
	[tilespmem:v27+s12+$0x0] =	vst.idx.msk $0xffff, v21;
	v27 =	vor.u32 v6, v22  }
.LBB2_2:
0x34: {  	s18 =	sshra.s32 s17, $0x2;
	p0 =	sne.s32 s17, $0x7C0;
	[tilespmem:v23+s12+$0x0] =	vst.idx.msk $0xffff, v21;
	v23 =	vor.u32 v9, v22  }
0x35: {  	v28 =	vld [tilespmem:s18+$0x200];
	[tilespmem:v24+s12+$0x0] =	vst.idx.msk $0xffff, v21;
	v24 =	vor.u32 v10, v22  }
0x36: {  	[tilespmem:v25+s12+$0x0] =	vst.idx.msk $0xffff, v21;
	v25 =	vor.u32 v11, v22  }
0x37: {  	[tilespmem:v26+s12+$0x0] =	vst.idx.msk $0xffff, v21;
	v26 =	vor.u32 v12, v22  }
0x38: {  	[tilespmem:v27+s12+$0x0] =	vst.idx.msk $0xffff, v21;
	v27 =	vor.u32 v13, v22  }
0x39: {  	[tilespmem:v23+s12+$0x0] =	vst.idx.msk $0xffff, v21;
	v23 =	vor.u32 v14, v22  }
0x3a: {  	[tilespmem:v24+s12+$0x0] =	vst.idx.msk $0xffff, v21;
	v24 =	vor.u32 v15, v22;
	v22 =	vshll.u32 v28, $0x4  }
0x3b: {  	v28 =	vld [tilespmem:s18+$0x0];
	v29 =	vor.u32 v0, v22;
	[tilespmem:v25+s12+$0x0] =	vst.idx.msk $0xffff, v21  }
0x3c: {  	v25 =	vor.u32 v1, v22;
	[tilespmem:v26+s12+$0x0] =	vst.idx.msk $0xffff, v21  }
0x3d: {  	v26 =	vor.u32 v2, v22;
	[tilespmem:v27+s12+$0x0] =	vst.idx.msk $0xffff, v21  }
0x3e: {  	v27 =	vor.u32 v3, v22;
	[tilespmem:v23+s12+$0x0] =	vst.idx.msk $0xffff, v21  }
.Ltmp0:
0x3f: {  	v23 =	vor.u32 v4, v22;
	[tilespmem:v24+s12+$0x0] =	vst.idx.msk $0xffff, v21;
	(pc) =	sbr.rel @p0 .LBB2_2-.Ltmp0, $4  }
0x40: {  	v24 =	vor.u32 v5, v22;
	[tilespmem:v29+s12+$0x0] =	vst.idx.msk $0xffff, v28;
	v21 =	vmov v28  }
0x41: {  	[tilespmem:v25+s12+$0x0] =	vst.idx.msk $0xffff, v21;
	v25 =	vor.u32 v7, v22  }
0x42: {  	[tilespmem:v26+s12+$0x0] =	vst.idx.msk $0xffff, v21;
	v26 =	vor.u32 v8, v22  }
0x43: {  	s17 =	sadd.s32 $0x40, s17;
	[tilespmem:v27+s12+$0x0] =	vst.idx.msk $0xffff, v21;
	v27 =	vor.u32 v6, v22  }
0x44: {  	_ =	sdelay $0x3  }
0x45: {  	[tilespmem:v23+s12+$0x0] =	vst.idx.msk $0xffff, v21;
	v23 =	vor.u32 v9, v22  }
0x46: {  	v60 =	vor.u32 v10, v22;
	[tilespmem:v24+s12+$0x0] =	vst.idx.msk $0xffff, v21  }
0x47: {  	v61 =	vor.u32 v11, v22;
	[tilespmem:v25+s12+$0x0] =	vst.idx.msk $0xffff, v21  }
0x48: {  	v62 =	vor.u32 v12, v22;
	[tilespmem:v26+s12+$0x0] =	vst.idx.msk $0xffff, v21  }
0x49: {  	v63 =	vor.u32 v13, v22;
	[tilespmem:v27+s12+$0x0] =	vst.idx.msk $0xffff, v21  }
0x4a: {  	[tilespmem:v23+s12+$0x0] =	vst.idx.msk $0xffff, v21;
	v23 =	vor.u32 v14, v22  }
0x4b: {  	v22 =	vor.u32 v15, v22;
	[tilespmem:v60+s12+$0x0] =	vst.idx.msk $0xffff, v21  }
0x4c: {  	[tilespmem:v61+s12+$0x0] =	vst.idx.msk $0xffff, v21  }
0x4d: {  	[tilespmem:v62+s12+$0x0] =	vst.idx.msk $0xffff, v21  }
0x4e: {  	[tilespmem:v63+s12+$0x0] =	vst.idx.msk $0xffff, v21  }
0x4f: {  	[tilespmem:v23+s12+$0x0] =	vst.idx.msk $0xffff, v21  }
0x50: {  	s17 =	simm.s32 $0x0;
	[tilespmem:v22+s12+$0x0] =	vst.idx.msk $0xffff, v21  }
0x51: {  	v21 =	vld [tilespmem:s17+$0x400]  }
0x52: {  	v22 =	vld [tilespmem:s17+$0x410];
	_ =	sdelay $0x2  }
0x53: {  	s18 =	simm.s32 $0x40  }
.LBB2_4:
0x54: {  	s19 =	sshra.s32 s18, $0x2;
	p0 =	sne.s32 s18, $0x7F80  }
.Ltmp1:
0x55: {  	s18 =	sadd.s32 $0x40, s18;
	v23 =	vadd.f32 v22, v21;
	v21 =	vld [tilespmem:s19+$0x400];
	(pc) =	sbr.rel @p0 .LBB2_4-.Ltmp1, $3  }
0x56: {  	v22 =	vld [tilespmem:s19+$0x410]  }
0x57: {  	v23 =	vmul.f32 $5.000000000e-01, v23;
	_ =	sdelay $0x1  }
0x58: {  	[tilespmem:s17+$0x2400] =	vst v23;
	s17 =	smov.u32 s19  }
0x59: {  	_ = 	snop  }
0x5a: {  	v21 =	vadd.f32 v22, v21;
	_ =	sdelay $0x1  }
0x5b: {  	v21 =	vmul.f32 $5.000000000e-01, v21;
	_ =	sdelay $0x1  }
0x5c: {  	v1 =	vimm.f32 $+Inf;
	[tilespmem:s17+$0x2400] =	vst v21  }
0x5d: {  	[tilespmem:$0x43F0] =	vst v1  }
0x5e: {  	s30 =	simm.s32 $0x4430;
	v21 =	vld.idx.msk [tilespmem:v17+s13+$0x0], $0xffff  }
0x5f: {  	v35 =	vld [tilespmem:s30+$0xFFFFFFD0]  }
0x60: {  	v32 =	vld [tilespmem:s30+$0xFFFFFFE0];
	_ =	sdelay $0x1  }
0x61: {  	v33 =	vld [tilespmem:s30+$0xFFFFFFF0];
	_ =	sdelay $0x1  }
0x62: {  	v34 =	vld [tilespmem:s30+$0x0];
	vm0 =	vle.f32 v21, v35  }
0x63: {  	v22 =	vsel vm0, v18, v0;
	vm0 =	vle.f32 v21, v32  }
0x64: {  	v3 =	vld [tilespmem:s30+$0x10];
	v23 =	vand.u32 $0x1000, v22;
	v24 =	vsel vm0, v18, v0  }
0x65: {  	v2 =	vld [tilespmem:s30+$0x20];
	vm0 =	vle.f32 v21, v33;
	v23 =	vor.u32 v19, v23;
	v25 =	vand.u32 $0x1000, v24  }
0x66: {  	v1 =	vld [tilespmem:s30+$0x30];
	v26 =	vsel vm0, v18, v0;
	v25 =	vor.u32 v19, v25  }
0x67: {  	vm0 =	vle.f32 v21, v34;
	v27 =	vand.u32 $0x1000, v26  }
0x68: {  	v28 =	vsel vm0, v18, v0;
	v27 =	vor.u32 v19, v27  }
0x69: {  	vm1 =	vle.f32 v21, v3;
	v37 =	vand.u32 $0x1000, v28  }
0x6a: {  	v36 =	vsel vm1, v18, v0;
	vm0 =	vle.f32 v21, v2;
	v37 =	vor.u32 v19, v37;
	v23 =	vld.idx.msk [tilespmem:v23+s13+$0x0], $0xffff  }
0x6b: {  	vm1 =	vle.f32 v21, v1;
	v38 =	vand.u32 $0x1000, v36;
	v21 =	vsel vm0, v18, v0;
	v25 =	vld.idx.msk [tilespmem:v25+s13+$0x0], $0xffff  }
0x6c: {  	v38 =	vor.u32 v19, v38;
	v40 =	vand.u32 $0x1000, v21  }
0x6d: {  	v39 =	vsel vm1, v18, v0;
	v40 =	vor.u32 v19, v40;
	v27 =	vld.idx.msk [tilespmem:v27+s13+$0x0], $0xffff  }
0x6e: {  	v41 =	vand.u32 $0x1000, v39  }
0x6f: {  	v42 =	vor.u32 $0x800, v22;
	v41 =	vor.u32 v19, v41;
	vm0 =	vle.f32 v23, v35;
	v23 =	vld.idx.msk [tilespmem:v37+s13+$0x0], $0xffff  }
0x70: {  	v53 =	vor.u32 $0x800, v24;
	v22 =	vsel vm0, v42, v22;
	vm0 =	vle.f32 v25, v32  }
0x71: {  	v56 =	vor.u32 $0x800, v26;
	v52 =	vld.idx.msk [tilespmem:v38+s13+$0x0], $0xffff;
	v25 =	vand.u32 $0x1800, v22;
	v24 =	vsel vm0, v53, v24  }
0x72: {  	v55 =	vld.idx.msk [tilespmem:v40+s13+$0x0], $0xffff;
	vm0 =	vle.f32 v27, v33;
	v25 =	vor.u32 v20, v25;
	v27 =	vand.u32 $0x1800, v24  }
0x73: {  	v26 =	vsel vm0, v56, v26;
	v27 =	vor.u32 v20, v27  }
0x74: {  	v57 =	vor.u32 $0x800, v28;
	v41 =	vld.idx.msk [tilespmem:v41+s13+$0x0], $0xffff;
	vm0 =	vle.f32 v23, v34;
	v23 =	vand.u32 $0x1800, v26  }
0x75: {  	v43 =	vor.u32 $0x800, v36;
	v28 =	vsel vm0, v57, v28;
	v23 =	vor.u32 v20, v23  }
0x76: {  	v58 =	vor.u32 $0x800, v21;
	vm1 =	vle.f32 v52, v3;
	v40 =	vand.u32 $0x1800, v28  }
0x77: {  	v36 =	vsel vm1, v43, v36;
	vm0 =	vle.f32 v55, v2;
	v25 =	vld.idx.msk [tilespmem:v25+s13+$0x0], $0xffff;
	v59 =	vor.u32 v20, v40  }
0x78: {  	v54 =	vor.u32 $0x800, v39;
	v60 =	vand.u32 $0x1800, v36;
	v21 =	vsel vm0, v58, v21;
	v27 =	vld.idx.msk [tilespmem:v27+s13+$0x0], $0xffff  }
0x79: {  	vm1 =	vle.f32 v41, v1;
	v61 =	vor.u32 v20, v60;
	v62 =	vand.u32 $0x1800, v21  }
0x7a: {  	v39 =	vsel vm1, v54, v39;
	v40 =	vor.u32 v20, v62;
	v23 =	vld.idx.msk [tilespmem:v23+s13+$0x0], $0xffff  }
0x7b: {  	v63 =	vand.u32 $0x1800, v39  }
0x7c: {  	v45 =	vor.u32 $0x400, v22;
	vm0 =	vle.f32 v25, v35;
	v25 =	vor.u32 v20, v63;
	v38 =	vld.idx.msk [tilespmem:v59+s13+$0x0], $0xffff  }
0x7d: {  	v46 =	vor.u32 $0x400, v24;
	v22 =	vsel vm0, v45, v22;
	vm0 =	vle.f32 v27, v32  }
0x7e: {  	v37 =	vld.idx.msk [tilespmem:v61+s13+$0x0], $0xffff;
	v27 =	vor.u32 $0x1F0, v22;
	v24 =	vsel vm0, v46, v24  }
0x7f: {  	v47 =	vor.u32 $0x400, v26;
	v40 =	vld.idx.msk [tilespmem:v40+s13+$0x0], $0xffff;
	vm0 =	vle.f32 v23, v33;
	v23 =	vor.u32 $0x1F0, v24  }
0x80: {  	v26 =	vsel vm0, v47, v26  }
0x81: {  	v48 =	vor.u32 $0x400, v28;
	v25 =	vld.idx.msk [tilespmem:v25+s13+$0x0], $0xffff;
	vm0 =	vle.f32 v38, v34;
	v49 =	vor.u32 $0x1F0, v26  }
0x82: {  	v28 =	vsel vm0, v48, v28  }
0x83: {  	v50 =	vor.u32 $0x400, v36;
	vm0 =	vle.f32 v37, v3;
	v27 =	vld.idx.msk [tilespmem:v27+s13+$0x0], $0xffff;
	v41 =	vor.u32 $0x1F0, v28  }
0x84: {  	v51 =	vor.u32 $0x400, v21;
	v36 =	vsel vm0, v50, v36;
	vm0 =	vle.f32 v40, v2;
	v23 =	vld.idx.msk [tilespmem:v23+s13+$0x0], $0xffff  }
0x85: {  	v37 =	vor.u32 $0x1F0, v36;
	v40 =	vsel vm0, v51, v21  }
0x86: {  	v52 =	vor.u32 $0x400, v39;
	vm0 =	vle.f32 v25, v1;
	v21 =	vld.idx.msk [tilespmem:v49+s13+$0x0], $0xffff;
	v25 =	vor.u32 $0x1F0, v40  }
0x87: {  	v53 =	vsel vm0, v52, v39  }
0x88: {  	vm0 =	vle.f32 v27, v35;
	v27 =	vor.u32 $0x200, v22;
	v39 =	vor.u32 $0x1F0, v53;
	v41 =	vld.idx.msk [tilespmem:v41+s13+$0x0], $0xffff  }
0x89: {  	v42 =	vld.idx.msk [tilespmem:v17+s13+$0x0], $0xffff;
	v27 =	vsel vm0, v27, v22;
	vm0 =	vle.f32 v23, v32;
	v23 =	vor.u32 $0x200, v24  }
0x8a: {  	v37 =	vld.idx.msk [tilespmem:v37+s13+$0x0], $0xffff;
	v22 =	vadd.s32 $0xF0, v27;
	v54 =	vsel vm0, v23, v24  }
0x8b: {  	s31 =	simm.s32 $0x44A0;
	v24 =	vadd.s32 $0xF0, v54;
	vm0 =	vle.f32 v21, v33;
	v21 =	vor.u32 $0x200, v26;
	v25 =	vld.idx.msk [tilespmem:v25+s13+$0x0], $0xffff  }
0x8c: {  	v44 =	vsel vm0, v21, v26;
	v21 =	vld [tilespmem:s31+$0x30]  }
0x8d: {  	v23 =	vor.u32 $0x200, v28;
	v26 =	vld.idx.msk [tilespmem:v39+s13+$0x0], $0xffff;
	vm0 =	vle.f32 v41, v34  }
0x8e: {  	v55 =	vadd.s32 $0xF0, v44;
	v45 =	vsel vm0, v23, v28;
	v23 =	vld [tilespmem:s31+$0x20]  }
0x8f: {  	vm0 =	vle.f32 v37, v3;
	v56 =	vld.idx.msk [tilespmem:v22+s13+$0x0], $0xffff;
	v28 =	vadd.s32 $0xF0, v45;
	v22 =	vor.u32 $0x200, v36  }
0x90: {  	v4 =	vimm.f32 $0.0e+00;
	v62 =	vadd.s32 $0x100, v45;
	v57 =	vld.idx.msk [tilespmem:v24+s13+$0x0], $0xffff;
	v36 =	vsel vm0, v22, v36  }
0x91: {  	v22 =	vld [tilespmem:s31+$0x10];
	vm0 =	vle.f32 v25, v2;
	v24 =	vor.u32 $0x200, v40;
	v46 =	vadd.s32 $0xF0, v36  }
0x92: {  	v25 =	vor.u32 $0x200, v53;
	v40 =	vsel vm0, v24, v40;
	v24 =	vld [tilespmem:s31+$0x0];
	vm1 =	vle.f32 v42, v21  }
0x93: {  	v39 =	vld.idx.msk [tilespmem:v55+s13+$0x0], $0xffff;
	vm0 =	vle.f32 v26, v1;
	v47 =	vadd.s32 $0xF0, v40;
	v26 =	vadd.s32 $0x100, v27  }
0x94: {  	v55 =	vadd.s32 $0x100, v40;
	v38 =	vsel vm0, v25, v53;
	vm0 =	vle.f32 v56, v35;
	v58 =	vld.idx.msk [tilespmem:v28+s13+$0x0], $0xffff  }
0x95: {  	v52 =	vsel vm1, v18, v0;
	v25 =	vld [tilespmem:s31+$0xFFFFFFF0];
	v48 =	vadd.s32 $0xF0, v38;
	v49 =	vsel vm0, v26, v27  }
0x96: {  	vm0 =	vle.f32 v57, v32;
	v26 =	vadd.s32 $0x100, v54;
	v27 =	vadd.s32 $0x100, v44;
	v46 =	vld.idx.msk [tilespmem:v46+s13+$0x0], $0xffff  }
0x97: {  	v57 =	vadd.s32 $0x100, v38;
	v59 =	vadd.s32 $0x70, v49;
	v43 =	vsel vm0, v26, v54;
	v26 =	vld [tilespmem:s31+$0xFFFFFFE0]  }
0x98: {  	vm0 =	vle.f32 v42, v23;
	vm3 =	vle.f32 v42, v24;
	vm2 =	vle.f32 v39, v33;
	v60 =	vld.idx.msk [tilespmem:v47+s13+$0x0], $0xffff  }
0x99: {  	v50 =	vadd.s32 $0x70, v43;
	v44 =	vsel vm2, v27, v44;
	vm2 =	vle.f32 v58, v34  }
0x9a: {  	v54 =	vadd.s32 $0x100, v36;
	v27 =	vld [tilespmem:s31+$0xFFFFFFD0];
	vm6 =	vle.f32 v42, v25;
	v41 =	vsel vm2, v62, v45  }
0x9b: {  	v61 =	vld.idx.msk [tilespmem:v48+s13+$0x0], $0xffff;
	v63 =	vadd.s32 $0x70, v44;
	vm2 =	vle.f32 v42, v22;
	v45 =	vadd.s32 $0x70, v41  }
0x9c: {  	v37 =	vld.idx.msk [tilespmem:v59+s13+$0x0], $0xffff;
	vm4 =	vle.f32 v46, v3;
	vm5 =	vle.f32 v42, v26;
	v59 =	vadd.s32 $0x80, v49  }
0x9d: {  	v39 =	vsel vm2, v18, v0;
	v46 =	vsel vm4, v54, v36;
	vm13 =	vle.f32 v60, v2  }
0x9e: {  	v50 =	vld.idx.msk [tilespmem:v50+s13+$0x0], $0xffff;
	v36 =	vsel vm6, v18, v0;
	v30 =	vor.u32 $0x800, v39;
	v56 =	vadd.s32 $0x70, v46  }
0x9f: {  	v51 =	vsel vm13, v55, v40;
	vm7 =	vle.f32 v42, v27;
	v40 =	vsel vm0, v18, v0  }
0xa0: {  	v55 =	vadd.s32 $0x80, v44;
	vm14 =	vle.f32 v61, v1;
	v58 =	vadd.s32 $0x70, v51  }
0xa1: {  	v31 =	vor.u32 $0x800, v36;
	v63 =	vld.idx.msk [tilespmem:v63+s13+$0x0], $0xffff;
	v61 =	vadd.s32 $0x80, v43;
	v47 =	vsel vm14, v57, v38  }
0xa2: {  	v28 =	vor.u32 $0x800, v40;
	vm15 =	vle.f32 v37, v35;
	v45 =	vld.idx.msk [tilespmem:v45+s13+$0x0], $0xffff;
	v60 =	vadd.s32 $0x70, v47  }
0xa3: {  	v38 =	vsel vm3, v18, v0;
	v49 =	vsel vm15, v59, v49;
	vm0 =	vle.f32 v50, v32  }
0xa4: {  	v37 =	vsel vm5, v18, v0;
	v62 =	vadd.s32 $0x30, v49;
	v53 =	vld.idx.msk [tilespmem:v56+s13+$0x0], $0xffff;
	v43 =	vsel vm0, v61, v43  }
0xa5: {  	v56 =	vsel vm7, v18, v0;
	v61 =	vadd.s32 $0x80, v46;
	v54 =	vadd.s32 $0x30, v43;
	v42 =	vld.idx.msk [tilespmem:v58+s13+$0x0], $0xffff  }
0xa6: {  	vm0 =	vle.f32 v63, v33;
	v63 =	vadd.s32 $0x80, v41;
	v58 =	vand.u32 $0x1000, v40  }
0xa7: {  	v44 =	vsel vm0, v55, v44;
	v58 =	vor.u32 v19, v58;
	v48 =	vld.idx.msk [tilespmem:v60+s13+$0x0], $0xffff;
	vm0 =	vle.f32 v45, v34  }
0xa8: {  	v55 =	vadd.s32 $0x30, v44;
	v60 =	vand.u32 $0x1000, v52;
	v41 =	vsel vm0, v63, v41  }
0xa9: {  	v45 =	vor.u32 v19, v60;
	v57 =	vadd.s32 $0x30, v41;
	vm0 =	vle.f32 v53, v3  }
0xaa: {  	v50 =	vld.idx.msk [tilespmem:v62+s13+$0x0], $0xffff;
	v62 =	vadd.s32 $0x80, v51;
	v46 =	vsel vm0, v61, v46;
	vm0 =	vle.f32 v42, v2  }
0xab: {  	v63 =	vadd.s32 $0x80, v47;
	v54 =	vld.idx.msk [tilespmem:v54+s13+$0x0], $0xffff;
	v53 =	vadd.s32 $0x30, v46;
	v42 =	vsel vm0, v62, v51  }
0xac: {  	v62 =	vand.u32 $0x1000, v37;
	vm0 =	vle.f32 v48, v1;
	v59 =	vadd.s32 $0x30, v42  }
0xad: {  	v60 =	vand.u32 $0x1000, v38;
	v48 =	vld.idx.msk [tilespmem:v55+s13+$0x0], $0xffff;
	v62 =	vor.u32 v19, v62;
	v47 =	vsel vm0, v63, v47  }
0xae: {  	v55 =	vand.u32 $0x1000, v39;
	v63 =	vand.u32 $0x1000, v56;
	v51 =	vld.idx.msk [tilespmem:v57+s13+$0x0], $0xffff;
	v57 =	vadd.s32 $0x30, v47  }
0xaf: {  	v45 =	vld.idx.msk [tilespmem:v45+s13+$0x0], $0xffff;
	vm0 =	vle.f32 v50, v35;
	v50 =	vadd.s32 $0x40, v49;
	v63 =	vor.u32 v19, v63  }
0xb0: {  	v49 =	vsel vm0, v50, v49;
	vm0 =	vle.f32 v54, v32;
	v50 =	vadd.s32 $0x40, v43;
	v53 =	vld.idx.msk [tilespmem:v53+s13+$0x0], $0xffff  }
0xb1: {  	v54 =	vadd.s32 $0x10, v49;
	v43 =	vsel vm0, v50, v43;
	v50 =	vor.u32 v19, v55;
	v59 =	vld.idx.msk [tilespmem:v59+s13+$0x0], $0xffff  }
0xb2: {  	v55 =	vadd.s32 $0x10, v43;
	vm0 =	vle.f32 v48, v33;
	v48 =	vadd.s32 $0x40, v44;
	v62 =	vld.idx.msk [tilespmem:v62+s13+$0x0], $0xffff  }
0xb3: {  	v60 =	vor.u32 v19, v60;
	v61 =	vand.u32 $0x1000, v36;
	v44 =	vsel vm0, v48, v44;
	v48 =	vld.idx.msk [tilespmem:v57+s13+$0x0], $0xffff  }
0xb4: {  	vm0 =	vle.f32 v51, v34;
	v51 =	vadd.s32 $0x40, v41;
	v57 =	vld.idx.msk [tilespmem:v58+s13+$0x0], $0xffff;
	v58 =	vadd.s32 $0x10, v44  }
0xb5: {  	v29 =	vor.u32 $0x800, v37;
	v63 =	vld.idx.msk [tilespmem:v63+s13+$0x0], $0xffff;
	v41 =	vsel vm0, v51, v41;
	v51 =	vor.u32 v19, v61  }
0xb6: {  	v54 =	vld.idx.msk [tilespmem:v54+s13+$0x0], $0xffff;
	v61 =	vadd.s32 $0x10, v41;
	vm0 =	vle.f32 v53, v3;
	v53 =	vadd.s32 $0x40, v46  }
0xb7: {  	vm2 =	vle.f32 v45, v21;
	v55 =	vld.idx.msk [tilespmem:v55+s13+$0x0], $0xffff;
	v46 =	vsel vm0, v53, v46;
	vm0 =	vle.f32 v59, v2  }
0xb8: {  	v53 =	vadd.s32 $0x40, v42;
	v59 =	vld.idx.msk [tilespmem:v60+s13+$0x0], $0xffff;
	vm10 =	vle.f32 v62, v26;
	v60 =	vadd.s32 $0x10, v46  }
0xb9: {  	v42 =	vsel vm0, v53, v42;
	v53 =	vadd.s32 $0x40, v47;
	vm0 =	vle.f32 v48, v1;
	v48 =	vld.idx.msk [tilespmem:v58+s13+$0x0], $0xffff  }
0xba: {  	v50 =	vld.idx.msk [tilespmem:v50+s13+$0x0], $0xffff;
	v29 =	vsel vm10, v29, v37;
	v16 =	vadd.s32 $0x10, v42;
	v47 =	vsel vm0, v53, v47  }
0xbb: {  	v53 =	vadd.s32 $0x20, v49;
	vm0 =	vle.f32 v54, v35;
	v54 =	vld.idx.msk [tilespmem:v61+s13+$0x0], $0xffff;
	v61 =	vadd.s32 $0x10, v47  }
0xbc: {  	v49 =	vsel vm0, v53, v49;
	vm0 =	vle.f32 v55, v32;
	v55 =	vadd.s32 $0x20, v43  }
0xbd: {  	v58 =	vor.u32 $0x800, v52;
	vm1 =	vle.f32 v57, v23;
	v60 =	vld.idx.msk [tilespmem:v60+s13+$0x0], $0xffff;
	v43 =	vsel vm0, v55, v43  }
0xbe: {  	v57 =	vadd.s32 $0x20, v41;
	vm0 =	vle.f32 v48, v33;
	v48 =	vadd.s32 $0x20, v44  }
0xbf: {  	vm12 =	vle.f32 v63, v27;
	v52 =	vsel vm2, v58, v52;
	v16 =	vld.idx.msk [tilespmem:v16+s13+$0x0], $0xffff;
	v44 =	vsel vm0, v48, v44  }
0xc0: {  	v28 =	vsel vm1, v28, v40;
	vm3 =	vle.f32 v50, v22;
	v45 =	vld.idx.msk [tilespmem:v61+s13+$0x0], $0xffff;
	vm8 =	vle.f32 v54, v34  }
0xc1: {  	v63 =	vadd.s32 $0x20, v47;
	v53 =	vor.u32 $0x800, v38;
	v48 =	vld.idx.msk [tilespmem:v49+s13+$0x0], $0xffff;
	v41 =	vsel vm8, v57, v41  }
0xc2: {  	vm9 =	vle.f32 v59, v24;
	v61 =	vadd.s32 $0x20, v46;
	vm11 =	vle.f32 v60, v3;
	v60 =	vld.idx.msk [tilespmem:v43+s13+$0x0], $0xffff  }
0xc3: {  	v51 =	vld.idx.msk [tilespmem:v51+s13+$0x0], $0xffff;
	v30 =	vsel vm3, v30, v39;
	v55 =	vor.u32 $0x800, v56;
	v46 =	vsel vm11, v61, v46  }
0xc4: {  	v38 =	vsel vm9, v53, v38;
	vm2 =	vle.f32 v16, v2;
	v16 =	vadd.s32 $0x20, v42;
	v62 =	vld.idx.msk [tilespmem:v44+s13+$0x0], $0xffff  }
0xc5: {  	v59 =	vadd.s32 $0x10, v43;
	v16 =	vsel vm2, v16, v42;
	vm1 =	vle.f32 v45, v1  }
0xc6: {  	v54 =	vadd.s32 $0x10, v49;
	vm2 =	vle.f32 v48, v35;
	v57 =	vld.idx.msk [tilespmem:v41+s13+$0x0], $0xffff;
	v42 =	vsel vm1, v63, v47  }
0xc7: {  	v45 =	vsel vm12, v55, v56;
	v58 =	vsel vm2, v54, v49;
	vm1 =	vle.f32 v60, v32  }
0xc8: {  	vm0 =	vle.f32 v51, v25;
	v63 =	vand.u32 $0x1800, v45;
	v60 =	vld.idx.msk [tilespmem:v46+s13+$0x0], $0xffff;
	v53 =	vsel vm1, v59, v43  }
0xc9: {  	v54 =	vadd.s32 $0x10, v44;
	v43 =	vor.u32 v20, v63;
	vm1 =	vle.f32 v62, v33  }
0xca: {  	v31 =	vsel vm0, v31, v36;
	v61 =	vand.u32 $0x1800, v29;
	v55 =	vld.idx.msk [tilespmem:v16+s13+$0x0], $0xffff;
	v62 =	vsel vm1, v54, v44  }
0xcb: {  	v56 =	vadd.s32 $0x10, v41;
	v63 =	vld.idx.msk [tilespmem:v42+s13+$0x0], $0xffff;
	vm0 =	vle.f32 v57, v34;
	v57 =	vor.u32 v20, v61  }
0xcc: {  	v50 =	vor.u32 $0x400, v31;
	v39 =	vld.idx.msk [tilespmem:v58+s12+$0x0], $0xffff;
	v58 =	vand.u32 $0x1800, v31;
	v41 =	vsel vm0, v56, v41  }
0xcd: {  	v59 =	vadd.s32 $0x10, v46;
	v44 =	vor.u32 v20, v58;
	vm0 =	vle.f32 v60, v3;
	v37 =	vld.idx.msk [tilespmem:v53+s12+$0x0], $0xffff  }
0xce: {  	v51 =	vor.u32 $0x400, v45;
	v60 =	vand.u32 $0x1800, v38;
	v43 =	vld.idx.msk [tilespmem:v43+s13+$0x0], $0xffff;
	v46 =	vsel vm0, v59, v46  }
0xcf: {  	v61 =	vadd.s32 $0x10, v16;
	v49 =	vor.u32 v20, v60;
	vm0 =	vle.f32 v55, v2;
	v36 =	vld.idx.msk [tilespmem:v62+s12+$0x0], $0xffff  }
0xd0: {  	v53 =	vor.u32 $0x400, v29;
	v58 =	vand.u32 $0x1800, v28;
	v16 =	vsel vm0, v61, v16;
	v47 =	vld.idx.msk [tilespmem:v57+s13+$0x0], $0xffff  }
0xd1: {  	vm0 =	vle.f32 v63, v1;
	v63 =	vadd.s32 $0x10, v42;
	v62 =	vsub.f32 v35, v39;
	v41 =	vld.idx.msk [tilespmem:v41+s12+$0x0], $0xffff  }
0xd2: {  	v60 =	vand.u32 $0x1800, v52;
	v57 =	vand.u32 $0x1800, v30;
	v40 =	vsel vm0, v63, v42;
	v42 =	vld.idx.msk [tilespmem:v44+s13+$0x0], $0xffff  }
0xd3: {  	v44 =	vor.u32 v20, v57;
	v59 =	vsub.f32 v32, v37;
	v48 =	vmul.f32 v62, v62;
	v46 =	vld.idx.msk [tilespmem:v46+s12+$0x0], $0xffff  }
0xd4: {  	vm0 =	vle.f32 v43, v27;
	v43 =	vor.u32 v20, v58;
	v49 =	vld.idx.msk [tilespmem:v49+s13+$0x0], $0xffff;
	v61 =	vsub.f32 v33, v36  }
0xd5: {  	v45 =	vsel vm0, v51, v45;
	v54 =	vmul.f32 v59, v59;
	v16 =	vld.idx.msk [tilespmem:v16+s12+$0x0], $0xffff;
	v48 =	vadd.f32 v48, v4  }
0xd6: {  	v55 =	vor.u32 $0x1F0, v45;
	vm0 =	vle.f32 v47, v26;
	v62 =	vmul.f32 v61, v61  }
0xd7: {  	v63 =	vsub.f32 v34, v41;
	v29 =	vsel vm0, v53, v29;
	v48 =	vadd.f32 v54, v48  }
0xd8: {  	v47 =	vor.u32 v20, v60;
	v40 =	vld.idx.msk [tilespmem:v40+s12+$0x0], $0xffff;
	vm0 =	vle.f32 v42, v25;
	v53 =	vor.u32 $0x1F0, v29  }
0xd9: {  	v56 =	vld.idx.msk [tilespmem:v44+s13+$0x0], $0xffff;
	v58 =	vmul.f32 v63, v63;
	v59 =	vsub.f32 v3, v46;
	v57 =	vadd.f32 v62, v48  }
0xda: {  	v31 =	vsel vm0, v50, v31;
	vm0 =	vle.f32 v49, v24;
	v61 =	vsub.f32 v2, v16  }
0xdb: {  	v43 =	vld.idx.msk [tilespmem:v43+s13+$0x0], $0xffff;
	v62 =	vor.u32 $0x400, v38;
	v60 =	vmul.f32 v59, v59;
	v44 =	vadd.f32 v58, v57  }
0xdc: {  	v49 =	vor.u32 $0x1F0, v31;
	v51 =	vsel vm0, v62, v38  }
0xdd: {  	v47 =	vld.idx.msk [tilespmem:v47+s13+$0x0], $0xffff;
	v57 =	vmul.f32 v61, v61;
	v58 =	vsub.f32 v1, v40;
	v63 =	vadd.f32 v60, v44  }
0xde: {  	v48 =	vld.idx.msk [tilespmem:v55+s13+$0x0], $0xffff;
	v59 =	vor.u32 $0x400, v30;
	vm0 =	vle.f32 v56, v22;
	v60 =	vor.u32 $0x1F0, v51  }
0xdf: {  	v30 =	vsel vm0, v59, v30;
	v62 =	vmul.f32 v58, v58;
	v38 =	vadd.f32 v57, v63  }
0xe0: {  	v61 =	vld.idx.msk [tilespmem:v53+s13+$0x0], $0xffff;
	vm0 =	vle.f32 v43, v23;
	v63 =	vor.u32 $0x400, v28;
	v57 =	vor.u32 $0x1F0, v30  }
0xe1: {  	v43 =	vsel vm0, v63, v28;
	v4 =	vadd.f32 v62, v38  }
0xe2: {  	v56 =	vor.u32 $0x400, v52;
	v28 =	vld.idx.msk [tilespmem:v49+s13+$0x0], $0xffff;
	vm0 =	vle.f32 v47, v21;
	v58 =	vor.u32 $0x1F0, v43  }
0xe3: {  	v59 =	vor.u32 $0x200, v45;
	v47 =	vsel vm0, v56, v52;
	vm0 =	vle.f32 v48, v27;
	[tilespmem:$0x1FF80] =	vst v4  }
0xe4: {  	v39 =	vsub.f32 v39, v35;
	v50 =	vor.u32 $0x1F0, v47;
	v45 =	vsel vm0, v59, v45;
	v49 =	vld.idx.msk [tilespmem:v60+s13+$0x0], $0xffff  }
0xe5: {  	v37 =	vsub.f32 v37, v32;
	vm0 =	vle.f32 v61, v26;
	v48 =	vadd.s32 $0xF0, v45;
	v61 =	vld.idx.msk [tilespmem:v57+s13+$0x0], $0xffff  }
0xe6: {  	v36 =	vsub.f32 v36, v33;
	v46 =	vsub.f32 v46, v3;
	v60 =	vor.u32 $0x200, v29;
	v54 =	vld.idx.msk [tilespmem:v17+s13+$0x0], $0xffff  }
0xe7: {  	s17 =	simm.s32 $0x4510;
	v53 =	vsel vm0, v60, v29;
	vm0 =	vle.f32 v28, v25;
	v28 =	vor.u32 $0x200, v31;
	v44 =	vld.idx.msk [tilespmem:v58+s13+$0x0], $0xffff  }
0xe8: {  	v16 =	vsub.f32 v16, v2;
	v4 =	vadd.f32 v39, v35;
	v56 =	vsel vm0, v28, v31;
	v28 =	vld [tilespmem:s17+$0x30]  }
0xe9: {  	v3 =	vadd.f32 v46, v3;
	v62 =	vsub.f32 v41, v34;
	v63 =	vadd.s32 $0xF0, v53;
	v50 =	vld.idx.msk [tilespmem:v50+s13+$0x0], $0xffff  }
0xea: {  	v59 =	vor.u32 $0x200, v47;
	v42 =	vadd.s32 $0xF0, v56;
	v48 =	vld.idx.msk [tilespmem:v48+s13+$0x0], $0xffff;
	[tilespmem:$0x1FF90] =	vst v4;
	v4 =	vadd.f32 v37, v32  }
0xeb: {  	v29 =	vor.u32 $0x200, v51;
	v31 =	vor.u32 $0x200, v30;
	vm0 =	vle.f32 v49, v24  }
0xec: {  	v57 =	vadd.s32 $0x100, v56;
	v51 =	vsel vm0, v29, v51;
	[tilespmem:$0x1FFA0] =	vst v4;
	v4 =	vadd.f32 v36, v33  }
0xed: {  	v49 =	vsub.f32 v40, v1;
	vm0 =	vle.f32 v61, v22;
	v29 =	vld [tilespmem:s17+$0x20];
	v52 =	vadd.s32 $0xF0, v51  }
0xee: {  	v61 =	vadd.s32 $0x100, v45;
	v37 =	vsel vm0, v31, v30;
	v39 =	vld.idx.msk [tilespmem:v63+s13+$0x0], $0xffff;
	vm0 =	vle.f32 v44, v23;
	[tilespmem:$0x1FFB0] =	vst v4  }
0xef: {  	v30 =	vor.u32 $0x200, v43;
	vm14 =	vle.f32 v54, v28;
	v33 =	vadd.s32 $0xF0, v37;
	v58 =	vld.idx.msk [tilespmem:v42+s13+$0x0], $0xffff  }
0xf0: {  	v4 =	vadd.f32 v62, v34;
	v36 =	vsel vm0, v30, v43;
	vm0 =	vle.f32 v50, v21;
	v30 =	vld [tilespmem:s17+$0x0]  }
0xf1: {  	v60 =	vadd.s32 $0xF0, v36;
	v47 =	vsel vm0, v59, v47;
	vm0 =	vle.f32 v48, v27;
	v34 =	vld [tilespmem:s17+$0xFFFFFFD0]  }
0xf2: {  	v63 =	vadd.s32 $0xF0, v47;
	v62 =	vld.idx.msk [tilespmem:v52+s13+$0x0], $0xffff;
	v52 =	vsel vm0, v61, v45;
	v45 =	vadd.f32 v16, v2  }
0xf3: {  	v31 =	vld [tilespmem:s17+$0x10];
	vm0 =	vle.f32 v39, v26;
	v16 =	vadd.s32 $0x100, v53;
	v42 =	vadd.s32 $0x70, v52  }
0xf4: {  	v59 =	vadd.s32 $0x100, v37;
	v2 =	vadd.f32 v49, v1;
	v43 =	vld.idx.msk [tilespmem:v33+s13+$0x0], $0xffff;
	v16 =	vsel vm0, v16, v53  }
0xf5: {  	vm13 =	vle.f32 v54, v29;
	v33 =	vld [tilespmem:s17+$0xFFFFFFE0];
	v53 =	vadd.s32 $0x70, v16;
	vm0 =	vle.f32 v58, v25  }
0xf6: {  	v50 =	vld.idx.msk [tilespmem:v60+s13+$0x0], $0xffff;
	v58 =	vadd.s32 $0x100, v51;
	vm3 =	vle.f32 v54, v30;
	v55 =	vsel vm0, v57, v56  }
0xf7: {  	vm11 =	vle.f32 v54, v34;
	v48 =	vld.idx.msk [tilespmem:v63+s13+$0x0], $0xffff;
	v56 =	vadd.s32 $0x70, v55;
	vm1 =	vle.f32 v62, v24  }
0xf8: {  	vm0 =	vle.f32 v54, v31;
	v63 =	vadd.s32 $0x100, v47;
	v46 =	vsel vm1, v58, v51;
	v39 =	vld.idx.msk [tilespmem:v42+s13+$0x0], $0xffff  }
0xf9: {  	v32 =	vld [tilespmem:s17+$0xFFFFFFF0];
	v57 =	vsel vm13, v18, v0;
	vm15 =	vle.f32 v43, v22;
	v51 =	vadd.s32 $0x70, v46  }
0xfa: {  	v40 =	vsel vm3, v18, v0;
	v62 =	vadd.s32 $0x100, v36;
	v49 =	vsel vm15, v59, v37;
	v60 =	vld.idx.msk [tilespmem:v53+s13+$0x0], $0xffff  }
0xfb: {  	vm2 =	vle.f32 v54, v33;
	vm9 =	vle.f32 v50, v23;
	v61 =	vadd.s32 $0x70, v49  }
0xfc: {  	v43 =	vadd.s32 $0x80, v52;
	v50 =	vsel vm9, v62, v36;
	vm10 =	vle.f32 v48, v21;
	v56 =	vld.idx.msk [tilespmem:v56+s13+$0x0], $0xffff  }
0xfd: {  	v35 =	vadd.s32 $0x70, v50;
	v47 =	vsel vm10, v63, v47;
	vm12 =	vle.f32 v39, v27  }
0xfe: {  	vm1 =	vle.f32 v54, v32;
	v44 =	vadd.s32 $0x70, v47;
	v51 =	vld.idx.msk [tilespmem:v51+s13+$0x0], $0xffff;
	v52 =	vsel vm12, v43, v52  }
0xff: {  	v62 =	vadd.s32 $0x80, v16;
	vm13 =	vle.f32 v60, v26;
	v59 =	vadd.s32 $0x30, v52  }
0x100: {  	v58 =	vsel vm14, v18, v0;
	v41 =	vsel vm2, v18, v0;
	v53 =	vld.idx.msk [tilespmem:v61+s13+$0x0], $0xffff;
	v16 =	vsel vm13, v62, v16  }
0x101: {  	v63 =	vadd.s32 $0x80, v55;
	vm14 =	vle.f32 v56, v25;
	v56 =	vadd.s32 $0x30, v16  }
0x102: {  	v42 =	vsel vm1, v18, v0;
	v36 =	vadd.s32 $0x80, v50;
	v48 =	vld.idx.msk [tilespmem:v35+s13+$0x0], $0xffff;
	v55 =	vsel vm14, v63, v55  }
0x103: {  	v35 =	vadd.s32 $0x80, v46;
	v54 =	vld.idx.msk [tilespmem:v44+s13+$0x0], $0xffff;
	v60 =	vadd.s32 $0x30, v55;
	vm3 =	vle.f32 v51, v24  }
0x104: {  	v38 =	vadd.s32 $0x80, v47;
	v51 =	vsel vm0, v18, v0;
	v46 =	vsel vm3, v35, v46;
	v59 =	vld.idx.msk [tilespmem:v59+s13+$0x0], $0xffff  }
0x105: {  	vm0 =	vle.f32 v53, v22;
	v35 =	vadd.s32 $0x80, v49;
	v43 =	vadd.s32 $0x30, v46  }
0x106: {  	v61 =	vsel vm11, v18, v0;
	v39 =	vadd.s32 $0x40, v52;
	v56 =	vld.idx.msk [tilespmem:v56+s13+$0x0], $0xffff;
	v49 =	vsel vm0, v35, v49  }
0x107: {  	v63 =	vand.u32 $0x1000, v58;
	vm0 =	vle.f32 v48, v23;
	v37 =	vadd.s32 $0x30, v49  }
0x108: {  	v44 =	vadd.s32 $0x40, v16;
	v48 =	vsel vm0, v36, v50;
	vm0 =	vle.f32 v54, v21;
	v60 =	vld.idx.msk [tilespmem:v60+s13+$0x0], $0xffff  }
0x109: {  	v54 =	vadd.s32 $0x30, v48;
	v47 =	vsel vm0, v38, v47;
	vm0 =	vle.f32 v59, v27  }
0x10a: {  	v62 =	vor.u32 v19, v63;
	v63 =	vadd.s32 $0x30, v47;
	v43 =	vld.idx.msk [tilespmem:v43+s13+$0x0], $0xffff;
	v50 =	vsel vm0, v39, v52  }
0x10b: {  	vm0 =	vle.f32 v56, v26;
	v39 =	vand.u32 $0x1000, v41;
	v52 =	vadd.s32 $0x10, v50  }
0x10c: {  	v53 =	vand.u32 $0x1000, v57;
	v38 =	vld.idx.msk [tilespmem:v37+s13+$0x0], $0xffff;
	v16 =	vsel vm0, v44, v16;
	v39 =	vor.u32 v19, v39  }
0x10d: {  	v35 =	vadd.s32 $0x40, v55;
	vm0 =	vle.f32 v60, v25;
	v36 =	vadd.s32 $0x10, v16  }
0x10e: {  	v53 =	vor.u32 v19, v53;
	v54 =	vld.idx.msk [tilespmem:v54+s13+$0x0], $0xffff;
	v55 =	vsel vm0, v35, v55;
	v35 =	vand.u32 $0x1000, v40  }
0x10f: {  	v63 =	vld.idx.msk [tilespmem:v63+s13+$0x0], $0xffff;
	v56 =	vadd.s32 $0x10, v55;
	vm0 =	vle.f32 v43, v24;
	v43 =	vadd.s32 $0x40, v46  }
0x110: {  	v59 =	vand.u32 $0x1000, v42;
	v35 =	vor.u32 v19, v35;
	v46 =	vsel vm0, v43, v46;
	v52 =	vld.idx.msk [tilespmem:v52+s13+$0x0], $0xffff  }
0x111: {  	v44 =	vadd.s32 $0x40, v49;
	vm0 =	vle.f32 v38, v22;
	v39 =	vld.idx.msk [tilespmem:v39+s13+$0x0], $0xffff;
	v37 =	vadd.s32 $0x10, v46  }
0x112: {  	v59 =	vor.u32 v19, v59;
	v60 =	vand.u32 $0x1000, v51;
	v36 =	vld.idx.msk [tilespmem:v36+s13+$0x0], $0xffff;
	v38 =	vsel vm0, v44, v49  }
0x113: {  	v43 =	vadd.s32 $0x40, v48;
	vm0 =	vle.f32 v54, v23;
	v49 =	vld.idx.msk [tilespmem:v62+s13+$0x0], $0xffff;
	v54 =	vadd.s32 $0x10, v38  }
0x114: {  	v60 =	vor.u32 v19, v60;
	v44 =	vadd.s32 $0x40, v47;
	v48 =	vsel vm0, v43, v48;
	v56 =	vld.idx.msk [tilespmem:v56+s13+$0x0], $0xffff  }
0x115: {  	v62 =	vand.u32 $0x1000, v61;
	vm0 =	vle.f32 v63, v21;
	v63 =	vadd.s32 $0x10, v48;
	v35 =	vld.idx.msk [tilespmem:v35+s13+$0x0], $0xffff  }
0x116: {  	v43 =	vadd.s32 $0x20, v50;
	v47 =	vsel vm0, v44, v47;
	vm0 =	vle.f32 v52, v27;
	v37 =	vld.idx.msk [tilespmem:v37+s13+$0x0], $0xffff  }
0x117: {  	v50 =	vsel vm0, v43, v50;
	vm0 =	vle.f32 v36, v26;
	v36 =	vor.u32 v19, v62  }
0x118: {  	v44 =	vadd.s32 $0x20, v16;
	v52 =	vadd.s32 $0x10, v47;
	vm3 =	vle.f32 v39, v33;
	v54 =	vld.idx.msk [tilespmem:v54+s13+$0x0], $0xffff  }
0x119: {  	v53 =	vld.idx.msk [tilespmem:v53+s13+$0x0], $0xffff;
	v43 =	vadd.s32 $0x20, v55;
	v16 =	vsel vm0, v44, v16;
	v44 =	vor.u32 $0x800, v58  }
0x11a: {  	vm1 =	vle.f32 v56, v25;
	v62 =	vld.idx.msk [tilespmem:v63+s13+$0x0], $0xffff;
	v63 =	vadd.s32 $0x20, v46;
	v56 =	vor.u32 $0x800, v40  }
0x11b: {  	vm2 =	vle.f32 v35, v30;
	v55 =	vsel vm1, v43, v55;
	vm0 =	vle.f32 v37, v24  }
0x11c: {  	v43 =	vor.u32 $0x800, v57;
	v36 =	vld.idx.msk [tilespmem:v36+s13+$0x0], $0xffff;
	v37 =	vsel vm0, v63, v46;
	vm0 =	vle.f32 v49, v28  }
0x11d: {  	v63 =	vor.u32 $0x800, v51;
	v49 =	vld.idx.msk [tilespmem:v52+s13+$0x0], $0xffff;
	vm1 =	vle.f32 v54, v22;
	v46 =	vsel vm0, v44, v58  }
0x11e: {  	v54 =	vld.idx.msk [tilespmem:v50+s13+$0x0], $0xffff;
	vm0 =	vle.f32 v53, v29;
	v58 =	vadd.s32 $0x20, v38;
	v53 =	vor.u32 $0x800, v41  }
0x11f: {  	v60 =	vld.idx.msk [tilespmem:v60+s13+$0x0], $0xffff;
	v44 =	vadd.s32 $0x20, v47;
	v38 =	vsel vm1, v58, v38;
	v57 =	vsel vm0, v43, v57  }
0x120: {  	v52 =	vld.idx.msk [tilespmem:v59+s13+$0x0], $0xffff;
	v58 =	vor.u32 $0x800, v42;
	vm0 =	vle.f32 v62, v23;
	v43 =	vadd.s32 $0x20, v48  }
0x121: {  	v59 =	vld.idx.msk [tilespmem:v16+s13+$0x0], $0xffff;
	v62 =	vor.u32 $0x800, v61;
	v48 =	vsel vm0, v43, v48;
	v43 =	vsel vm2, v56, v40  }
0x122: {  	v56 =	vadd.s32 $0x10, v50;
	v40 =	vsel vm3, v53, v41;
	vm2 =	vle.f32 v36, v34  }
0x123: {  	v35 =	vld.idx.msk [tilespmem:v55+s13+$0x0], $0xffff;
	vm0 =	vle.f32 v49, v21;
	vm15 =	vle.f32 v54, v27;
	v49 =	vsel vm2, v62, v61  }
0x124: {  	v47 =	vsel vm0, v44, v47;
	vm0 =	vle.f32 v60, v31;
	v60 =	vld.idx.msk [tilespmem:v37+s13+$0x0], $0xffff;
	v39 =	vsel vm15, v56, v50  }
0x125: {  	vm1 =	vle.f32 v52, v32;
	v61 =	vadd.s32 $0x10, v16;
	v62 =	vand.u32 $0x1800, v49  }
0x126: {  	v51 =	vsel vm0, v63, v51;
	vm0 =	vle.f32 v59, v26;
	v52 =	vld.idx.msk [tilespmem:v38+s13+$0x0], $0xffff;
	v50 =	vor.u32 v20, v62  }
0x127: {  	v1 =	vld [tilespmem:$0x1FF80];
	v42 =	vsel vm1, v58, v42;
	v59 =	vand.u32 $0x1800, v40;
	v16 =	vsel vm0, v61, v16  }
0x128: {  	v63 =	vadd.s32 $0x10, v55;
	vm0 =	vle.f32 v35, v25;
	v53 =	vld.idx.msk [tilespmem:v48+s13+$0x0], $0xffff;
	v54 =	vor.u32 v20, v59  }
0x129: {  	v35 =	vsel vm0, v63, v55;
	vm0 =	vle.f32 v60, v24;
	v60 =	vadd.s32 $0x10, v37;
	v56 =	vld.idx.msk [tilespmem:v39+s12+$0x0], $0xffff  }
0x12a: {  	v41 =	vadd.s32 $0x10, v48;
	v61 =	vand.u32 $0x1800, v42;
	v55 =	vld.idx.msk [tilespmem:v47+s13+$0x0], $0xffff;
	v36 =	vsel vm0, v60, v37  }
0x12b: {  	v62 =	vadd.s32 $0x10, v38;
	v37 =	vor.u32 v20, v61;
	vm0 =	vle.f32 v52, v22;
	v39 =	vld.idx.msk [tilespmem:v50+s13+$0x0], $0xffff  }
0x12c: {  	v63 =	vand.u32 $0x1800, v43;
	v52 =	vor.u32 $0x400, v42;
	v58 =	vld.idx.msk [tilespmem:v16+s12+$0x0], $0xffff;
	v38 =	vsel vm0, v62, v38  }
0x12d: {  	v50 =	vor.u32 v20, v63;
	v61 =	vand.u32 $0x1800, v51;
	vm0 =	vle.f32 v53, v23;
	v53 =	vld.idx.msk [tilespmem:v54+s13+$0x0], $0xffff  }
0x12e: {  	v60 =	vor.u32 $0x400, v40;
	v61 =	vor.u32 v20, v61;
	v59 =	vld.idx.msk [tilespmem:v35+s12+$0x0], $0xffff;
	v54 =	vsub.f32 v27, v56  }
0x12f: {  	v48 =	vsel vm0, v41, v48;
	vm0 =	vle.f32 v55, v21;
	v55 =	vadd.s32 $0x10, v47;
	v36 =	vld.idx.msk [tilespmem:v36+s12+$0x0], $0xffff  }
0x130: {  	v41 =	vand.u32 $0x1800, v57;
	v47 =	vsel vm0, v55, v47;
	v55 =	vld.idx.msk [tilespmem:v37+s13+$0x0], $0xffff;
	v54 =	vmul.f32 v54, v54  }
0x131: {  	v35 =	vor.u32 $0x400, v49;
	v62 =	vor.u32 v20, v41;
	v63 =	vsub.f32 v26, v58;
	v37 =	vld.idx.msk [tilespmem:v38+s12+$0x0], $0xffff  }
0x132: {  	vm0 =	vle.f32 v39, v34;
	v39 =	vand.u32 $0x1800, v46;
	v54 =	vadd.f32 v54, v1;
	v1 =	vld [tilespmem:$0x1FF90]  }
0x133: {  	v50 =	vld.idx.msk [tilespmem:v50+s13+$0x0], $0xffff;
	v41 =	vsel vm0, v35, v49;
	v16 =	vsub.f32 v25, v59;
	v63 =	vmul.f32 v63, v63  }
0x134: {  	vm0 =	vle.f32 v53, v33;
	v35 =	vor.u32 v20, v39;
	v38 =	vld.idx.msk [tilespmem:v48+s12+$0x0], $0xffff;
	v53 =	vor.u32 $0x1F0, v41  }
0x135: {  	v16 =	vmul.f32 v16, v16;
	v48 =	vadd.f32 v63, v54;
	v63 =	vsub.f32 v24, v36;
	v39 =	vld.idx.msk [tilespmem:v47+s12+$0x0], $0xffff  }
0x136: {  	s18 =	simm.s32 $0x5CB0;
	v47 =	vsel vm0, v60, v40;
	vm0 =	vle.f32 v55, v32;
	v40 =	vld.idx.msk [tilespmem:v61+s13+$0x0], $0xffff;
	v61 =	vsub.f32 v22, v37  }
0x137: {  	v44 =	vor.u32 $0x400, v43;
	v16 =	vadd.f32 v16, v48;
	v48 =	vsel vm0, v52, v42;
	v42 =	vld.idx.msk [tilespmem:v62+s13+$0x0], $0xffff;
	[tilespmem:s18+$0xFFFFFFD0] =	vst v1  }
0x138: {  	v55 =	vor.u32 $0x1F0, v47;
	v49 =	vmul.f32 v63, v63;
	vm0 =	vle.f32 v50, v30;
	v1 =	vld [tilespmem:$0x1FFA0]  }
0x139: {  	v63 =	vsub.f32 v23, v38;
	v60 =	vld.idx.msk [tilespmem:v53+s13+$0x0], $0xffff;
	v53 =	vor.u32 $0x400, v51;
	v62 =	vmul.f32 v61, v61  }
0x13a: {  	v35 =	vld.idx.msk [tilespmem:v35+s13+$0x0], $0xffff;
	v54 =	vor.u32 $0x1F0, v48;
	v16 =	vadd.f32 v49, v16;
	v49 =	vsel vm0, v44, v43  }
0x13b: {  	v43 =	vor.u32 $0x400, v46;
	v44 =	vmul.f32 v63, v63;
	v52 =	vsub.f32 v21, v39  }
0x13c: {  	v61 =	vor.u32 $0x1F0, v49;
	vm0 =	vle.f32 v40, v31;
	v16 =	vadd.f32 v62, v16  }
0x13d: {  	v50 =	vsel vm0, v53, v51;
	v62 =	vld.idx.msk [tilespmem:v55+s13+$0x0], $0xffff;
	v55 =	vor.u32 $0x400, v57;
	v40 =	vmul.f32 v52, v52;
	[tilespmem:s18+$0xFFFFFFE0] =	vst v1  }
0x13e: {  	v63 =	vor.u32 $0x1F0, v50;
	vm0 =	vle.f32 v42, v29;
	v42 =	vsub.f32 v58, v26;
	v1 =	vld [tilespmem:$0x1FFB0]  }
0x13f: {  	v16 =	vadd.f32 v44, v16;
	v51 =	vsel vm0, v55, v57;
	vm0 =	vle.f32 v35, v28;
	[tilespmem:s18+$0x0] =	vst v4  }
0x140: {  	v53 =	vld.idx.msk [tilespmem:v54+s13+$0x0], $0xffff;
	v52 =	vor.u32 $0x1F0, v51;
	v46 =	vsel vm0, v43, v46;
	vm0 =	vle.f32 v60, v34;
	[tilespmem:s18+$0x10] =	vst v3  }
0x141: {  	v35 =	vadd.f32 v40, v16;
	[tilespmem:s18+$0x20] =	vst v45;
	v16 =	vor.u32 $0x200, v41;
	v55 =	vor.u32 $0x1F0, v46  }
0x142: {  	v40 =	vsub.f32 v56, v27;
	v45 =	vld.idx.msk [tilespmem:v61+s13+$0x0], $0xffff;
	[tilespmem:s18+$0x30] =	vst v2;
	v56 =	vor.u32 $0x200, v47;
	v44 =	vsel vm0, v16, v41  }
0x143: {  	s19 =	simm.s32 $0xE;
	v41 =	vsub.f32 v59, v25;
	vm0 =	vle.f32 v62, v33;
	v54 =	vadd.s32 $0xF0, v44;
	v43 =	vld.idx.msk [tilespmem:v63+s13+$0x0], $0xffff;
	[tilespmem:s18+$0xFFFFFFF0] =	vst v1  }
.LBB2_6:
0x144: {  	v16 =	vld.idx.msk [tilespmem:v17+s13+$0x0], $0xffff;
	v47 =	vsel vm0, v56, v47;
	v36 =	vsub.f32 v36, v24;
	v37 =	vsub.f32 v37, v22  }
0x145: {  	vm0 =	vle.f32 v53, v32;
	v53 =	vor.u32 $0x200, v48;
	v56 =	vadd.s32 $0xF0, v47;
	v52 =	vld.idx.msk [tilespmem:v52+s13+$0x0], $0xffff  }
0x146: {  	s17 =	sadd.s32 $0x70, s17;
	v38 =	vsub.f32 v38, v23;
	v39 =	vsub.f32 v39, v21;
	v48 =	vsel vm0, v53, v48;
	v53 =	vld.idx.msk [tilespmem:v55+s13+$0x0], $0xffff  }
0x147: {  	v57 =	vadd.s32 $0xF0, v48;
	vm0 =	vle.f32 v45, v30;
	v45 =	vor.u32 $0x200, v49;
	v55 =	vld [tilespmem:s17+$0x30]  }
0x148: {  	v40 =	vadd.f32 v40, v27;
	v42 =	vadd.f32 v42, v26;
	v45 =	vsel vm0, v45, v49;
	v54 =	vld.idx.msk [tilespmem:v54+s13+$0x0], $0xffff  }
0x149: {  	v26 =	vmovc v33;
	v27 =	vmovc v34;
	v58 =	vadd.s32 $0xF0, v45;
	vm0 =	vle.f32 v43, v31;
	v43 =	vor.u32 $0x200, v50;
	v49 =	vld [tilespmem:s17+$0x20]  }
0x14a: {  	v34 =	vadd.f32 v41, v25;
	s18 =	sadd.s32 $0x70, s18;
	v36 =	vadd.f32 v36, v24;
	v43 =	vsel vm0, v43, v50;
	v33 =	vld.idx.msk [tilespmem:v56+s13+$0x0], $0xffff  }
0x14b: {  	v25 =	vmovc v32;
	v24 =	vmovc v30;
	v50 =	vadd.s32 $0xF0, v43;
	vm0 =	vle.f32 v52, v29;
	v52 =	vor.u32 $0x200, v51;
	v41 =	vld [tilespmem:s17+$0x10];
	[tilespmem:s18+$0xFFFFFFD0] =	vst v40  }
0x14c: {  	v32 =	vor.u32 $0x200, v46;
	v51 =	vsel vm0, v52, v51;
	vm0 =	vle.f32 v53, v28;
	v40 =	vld.idx.msk [tilespmem:v57+s13+$0x0], $0xffff;
	[tilespmem:s18+$0xFFFFFFE0] =	vst v42  }
0x14d: {  	v42 =	vadd.s32 $0xF0, v51;
	v46 =	vsel vm0, v32, v46;
	v30 =	vld [tilespmem:s17+$0x0];
	[tilespmem:s18+$0xFFFFFFF0] =	vst v34;
	v34 =	vadd.f32 v37, v22;
	v22 =	vmovc v31  }
0x14e: {  	vm0 =	vle.f32 v54, v27;
	v31 =	vadd.s32 $0x100, v44;
	v52 =	vadd.s32 $0xF0, v46;
	v37 =	vld.idx.msk [tilespmem:v58+s13+$0x0], $0xffff;
	[tilespmem:s18+$0x0] =	vst v36  }
0x14f: {  	v1 =	vadd.f32 v38, v23;
	v36 =	vsel vm0, v31, v44;
	v32 =	vld [tilespmem:s17+$0xFFFFFFF0];
	[tilespmem:s18+$0x10] =	vst v34;
	v34 =	vadd.f32 v39, v21  }
0x150: {  	v2 =	vadd.s32 $0x100, v47;
	v38 =	vadd.s32 $0x70, v36;
	vm0 =	vle.f32 v33, v26;
	v21 =	vmovc v28;
	v28 =	vmovc v55;
	v39 =	vld.idx.msk [tilespmem:v50+s13+$0x0], $0xffff  }
0x151: {  	v23 =	vmovc v29;
	v29 =	vmov v49;
	v44 =	vsel vm0, v2, v47;
	v31 =	vmov v41;
	v33 =	vld [tilespmem:s17+$0xFFFFFFE0];
	[tilespmem:s18+$0x20] =	vst v1  }
0x152: {  	v41 =	vadd.s32 $0x70, v44;
	vm2 =	vle.f32 v40, v25;
	v40 =	vadd.s32 $0x100, v48;
	v42 =	vld.idx.msk [tilespmem:v42+s13+$0x0], $0xffff;
	[tilespmem:s18+$0x30] =	vst v34  }
0x153: {  	vm0 =	vle.f32 v16, v29;
	vm1 =	vle.f32 v16, v28;
	v47 =	vsel vm2, v40, v48;
	v40 =	vld.idx.msk [tilespmem:v52+s13+$0x0], $0xffff  }
0x154: {  	v48 =	vadd.s32 $0x70, v47;
	vm2 =	vle.f32 v37, v24;
	v37 =	vadd.s32 $0x100, v45;
	v34 =	vld [tilespmem:s17+$0xFFFFFFD0]  }
0x155: {  	vm5 =	vle.f32 v16, v31;
	vm4 =	vle.f32 v16, v30;
	v45 =	vsel vm2, v37, v45;
	v38 =	vld.idx.msk [tilespmem:v38+s13+$0x0], $0xffff  }
0x156: {  	v37 =	vadd.s32 $0x70, v45;
	vm6 =	vle.f32 v39, v22;
	v39 =	vadd.s32 $0x100, v43  }
0x157: {  	vm3 =	vle.f32 v16, v32;
	vm2 =	vle.f32 v16, v33;
	v43 =	vsel vm6, v39, v43;
	v49 =	vld.idx.msk [tilespmem:v41+s13+$0x0], $0xffff  }
0x158: {  	v39 =	vadd.s32 $0x70, v43;
	vm6 =	vle.f32 v42, v23;
	v41 =	vadd.s32 $0x100, v51  }
0x159: {  	vm7 =	vle.f32 v40, v21;
	v40 =	vadd.s32 $0x100, v46;
	v42 =	vld.idx.msk [tilespmem:v48+s13+$0x0], $0xffff;
	v48 =	vsel vm6, v41, v51  }
0x15a: {  	vm6 =	vle.f32 v16, v34;
	v46 =	vsel vm7, v40, v46;
	v16 =	vadd.s32 $0x70, v48  }
0x15b: {  	vm7 =	vle.f32 v38, v27;
	v38 =	vadd.s32 $0x80, v36;
	v51 =	vadd.s32 $0x70, v46;
	v50 =	vld.idx.msk [tilespmem:v37+s13+$0x0], $0xffff  }
0x15c: {  	v40 =	vsel vm0, v18, v0;
	v41 =	vsel vm1, v18, v0;
	v52 =	vsel vm7, v38, v36  }
0x15d: {  	v36 =	vadd.s32 $0x80, v44;
	v53 =	vadd.s32 $0x30, v52;
	vm0 =	vle.f32 v49, v26;
	v49 =	vld.idx.msk [tilespmem:v39+s13+$0x0], $0xffff  }
0x15e: {  	v38 =	vsel vm4, v18, v0;
	v39 =	vsel vm5, v18, v0;
	v44 =	vsel vm0, v36, v44  }
0x15f: {  	v54 =	vadd.s32 $0x30, v44;
	vm0 =	vle.f32 v42, v25;
	v42 =	vadd.s32 $0x80, v47;
	v16 =	vld.idx.msk [tilespmem:v16+s13+$0x0], $0xffff  }
0x160: {  	v37 =	vsel vm2, v18, v0;
	v36 =	vsel vm3, v18, v0;
	v47 =	vsel vm0, v42, v47;
	v51 =	vld.idx.msk [tilespmem:v51+s13+$0x0], $0xffff  }
0x161: {  	v55 =	vadd.s32 $0x30, v47;
	vm0 =	vle.f32 v50, v24;
	v50 =	vadd.s32 $0x80, v45  }
0x162: {  	v56 =	vand.u32 $0x1000, v41;
	v42 =	vsel vm6, v18, v0;
	v45 =	vsel vm0, v50, v45;
	v53 =	vld.idx.msk [tilespmem:v53+s13+$0x0], $0xffff  }
0x163: {  	v50 =	vadd.s32 $0x30, v45;
	vm0 =	vle.f32 v49, v22;
	v49 =	vadd.s32 $0x80, v43  }
0x164: {  	v57 =	vand.u32 $0x1000, v40;
	v56 =	vor.u32 v19, v56;
	v43 =	vsel vm0, v49, v43;
	v54 =	vld.idx.msk [tilespmem:v54+s13+$0x0], $0xffff  }
0x165: {  	v49 =	vadd.s32 $0x30, v43;
	vm0 =	vle.f32 v16, v23;
	v16 =	vadd.s32 $0x80, v48  }
0x166: {  	v16 =	vsel vm0, v16, v48;
	vm0 =	vle.f32 v51, v21;
	v48 =	vadd.s32 $0x80, v46;
	v55 =	vld.idx.msk [tilespmem:v55+s13+$0x0], $0xffff  }
0x167: {  	v51 =	vand.u32 $0x1000, v39;
	v58 =	vadd.s32 $0x30, v16;
	v46 =	vsel vm0, v48, v46  }
0x168: {  	v48 =	vadd.s32 $0x40, v52;
	vm0 =	vle.f32 v53, v27;
	v53 =	vadd.s32 $0x30, v46;
	v50 =	vld.idx.msk [tilespmem:v50+s13+$0x0], $0xffff  }
0x169: {  	v57 =	vor.u32 v19, v57;
	v59 =	vand.u32 $0x1000, v38;
	v48 =	vsel vm0, v48, v52  }
0x16a: {  	v52 =	vadd.s32 $0x10, v48;
	vm0 =	vle.f32 v54, v26;
	v54 =	vadd.s32 $0x40, v44;
	v49 =	vld.idx.msk [tilespmem:v49+s13+$0x0], $0xffff  }
0x16b: {  	v60 =	vand.u32 $0x1000, v36;
	v51 =	vor.u32 v19, v51;
	v44 =	vsel vm0, v54, v44;
	v56 =	vld.idx.msk [tilespmem:v56+s13+$0x0], $0xffff  }
0x16c: {  	v54 =	vadd.s32 $0x10, v44;
	vm0 =	vle.f32 v55, v25;
	v55 =	vadd.s32 $0x40, v47;
	v58 =	vld.idx.msk [tilespmem:v58+s13+$0x0], $0xffff  }
0x16d: {  	v61 =	vand.u32 $0x1000, v37;
	v59 =	vor.u32 v19, v59;
	v47 =	vsel vm0, v55, v47;
	v53 =	vld.idx.msk [tilespmem:v53+s13+$0x0], $0xffff  }
0x16e: {  	vm0 =	vle.f32 v50, v24;
	v50 =	vadd.s32 $0x40, v45;
	v55 =	vld.idx.msk [tilespmem:v57+s13+$0x0], $0xffff;
	v57 =	vadd.s32 $0x10, v47  }
0x16f: {  	v60 =	vor.u32 v19, v60;
	v62 =	vand.u32 $0x1000, v42;
	v45 =	vsel vm0, v50, v45;
	v52 =	vld.idx.msk [tilespmem:v52+s13+$0x0], $0xffff  }
0x170: {  	s19 =	sadd.s32 $0x7, s19;
	vm0 =	vle.f32 v49, v22;
	v49 =	vadd.s32 $0x40, v43;
	v50 =	vld.idx.msk [tilespmem:v51+s13+$0x0], $0xffff;
	v51 =	vadd.s32 $0x10, v45  }
0x171: {  	p0 =	slt.u32 s19, $0x181;
	v61 =	vor.u32 v19, v61;
	v62 =	vor.u32 v19, v62;
	v43 =	vsel vm0, v49, v43;
	v54 =	vld.idx.msk [tilespmem:v54+s13+$0x0], $0xffff  }
0x172: {  	vm0 =	vle.f32 v58, v23;
	v58 =	vadd.s32 $0x40, v16;
	v49 =	vld.idx.msk [tilespmem:v59+s13+$0x0], $0xffff;
	v59 =	vadd.s32 $0x10, v43  }
0x173: {  	v16 =	vsel vm0, v58, v16;
	vm0 =	vle.f32 v53, v21;
	v53 =	vadd.s32 $0x40, v46;
	v57 =	vld.idx.msk [tilespmem:v57+s13+$0x0], $0xffff  }
0x174: {  	v63 =	vadd.s32 $0x10, v16;
	v46 =	vsel vm0, v53, v46;
	v58 =	vld.idx.msk [tilespmem:v60+s13+$0x0], $0xffff;
	v60 =	vor.u32 $0x800, v41  }
0x175: {  	vm0 =	vle.f32 v52, v27;
	v52 =	vadd.s32 $0x20, v48;
	v53 =	vadd.s32 $0x10, v46;
	v51 =	vld.idx.msk [tilespmem:v51+s13+$0x0], $0xffff  }
0x176: {  	v2 =	vor.u32 $0x800, v40;
	v1 =	vor.u32 $0x800, v39;
	v48 =	vsel vm0, v52, v48;
	v61 =	vld.idx.msk [tilespmem:v61+s13+$0x0], $0xffff  }
0x177: {  	v52 =	vor.u32 $0x800, v38;
	vm0 =	vle.f32 v54, v26;
	v54 =	vadd.s32 $0x20, v44;
	v59 =	vld.idx.msk [tilespmem:v59+s13+$0x0], $0xffff  }
0x178: {  	v3 =	vor.u32 $0x800, v37;
	v4 =	vor.u32 $0x800, v36;
	v44 =	vsel vm0, v54, v44;
	v62 =	vld.idx.msk [tilespmem:v62+s13+$0x0], $0xffff  }
0x179: {  	v54 =	vor.u32 $0x800, v42;
	vm0 =	vle.f32 v57, v25;
	v57 =	vadd.s32 $0x20, v47;
	v63 =	vld.idx.msk [tilespmem:v63+s13+$0x0], $0xffff  }
0x17a: {  	vm4 =	vle.f32 v56, v28;
	vm3 =	vle.f32 v55, v29;
	v47 =	vsel vm0, v57, v47;
	v53 =	vld.idx.msk [tilespmem:v53+s13+$0x0], $0xffff  }
0x17b: {  	vm2 =	vle.f32 v50, v31;
	vm1 =	vle.f32 v51, v24;
	v51 =	vadd.s32 $0x20, v45;
	v50 =	vld.idx.msk [tilespmem:v48+s13+$0x0], $0xffff  }
0x17c: {  	vm5 =	vle.f32 v49, v30;
	vm0 =	vle.f32 v58, v32;
	v45 =	vsel vm1, v51, v45  }
0x17d: {  	vm1 =	vle.f32 v61, v33;
	v51 =	vadd.s32 $0x20, v43;
	vm6 =	vle.f32 v59, v22;
	v49 =	vld.idx.msk [tilespmem:v44+s13+$0x0], $0xffff  }
0x17e: {  	v41 =	vsel vm4, v60, v41;
	vm7 =	vle.f32 v62, v34;
	v43 =	vsel vm6, v51, v43  }
0x17f: {  	v40 =	vsel vm3, v2, v40;
	v51 =	vadd.s32 $0x20, v16;
	vm3 =	vle.f32 v63, v23;
	v2 =	vld.idx.msk [tilespmem:v47+s13+$0x0], $0xffff  }
0x180: {  	v16 =	vsel vm3, v51, v16;
	vm3 =	vle.f32 v53, v21;
	v51 =	vadd.s32 $0x20, v46  }
0x181: {  	vm4 =	vle.f32 v50, v27;
	v50 =	vadd.s32 $0x10, v48;
	v46 =	vsel vm3, v51, v46;
	v53 =	vld.idx.msk [tilespmem:v45+s13+$0x0], $0xffff  }
0x182: {  	v1 =	vsel vm2, v1, v39;
	v51 =	vsel vm5, v52, v38;
	v38 =	vsel vm4, v50, v48  }
0x183: {  	v39 =	vsel vm7, v54, v42;
	v42 =	vadd.s32 $0x10, v44;
	vm2 =	vle.f32 v49, v26;
	v48 =	vld.idx.msk [tilespmem:v43+s13+$0x0], $0xffff  }
0x184: {  	v3 =	vsel vm1, v3, v37;
	v49 =	vand.u32 $0x1800, v39;
	v37 =	vsel vm2, v42, v44  }
0x185: {  	v42 =	vor.u32 v20, v49;
	vm1 =	vle.f32 v2, v25;
	v2 =	vadd.s32 $0x10, v47;
	v44 =	vld.idx.msk [tilespmem:v16+s13+$0x0], $0xffff  }
0x186: {  	v4 =	vsel vm0, v4, v36;
	v49 =	vand.u32 $0x1800, v3;
	v2 =	vsel vm1, v2, v47;
	v47 =	vld.idx.msk [tilespmem:v46+s13+$0x0], $0xffff  }
0x187: {  	v36 =	vor.u32 v20, v49;
	vm0 =	vle.f32 v53, v24;
	v54 =	vld.idx.msk [tilespmem:v38+s12+$0x0], $0xffff;
	v38 =	vadd.s32 $0x10, v45  }
0x188: {  	v50 =	vor.u32 $0x400, v51;
	v49 =	vand.u32 $0x1800, v4;
	v38 =	vsel vm0, v38, v45  }
0x189: {  	v45 =	vor.u32 v20, v49;
	vm0 =	vle.f32 v48, v22;
	v56 =	vld.idx.msk [tilespmem:v37+s12+$0x0], $0xffff;
	v37 =	vadd.s32 $0x10, v43  }
0x18a: {  	v48 =	vor.u32 $0x400, v4;
	v49 =	vand.u32 $0x1800, v51;
	v42 =	vld.idx.msk [tilespmem:v42+s13+$0x0], $0xffff;
	v37 =	vsel vm0, v37, v43  }
0x18b: {  	v43 =	vor.u32 v20, v49;
	vm0 =	vle.f32 v44, v23;
	v44 =	vadd.s32 $0x10, v16;
	v2 =	vld.idx.msk [tilespmem:v2+s12+$0x0], $0xffff  }
0x18c: {  	v53 =	vor.u32 $0x400, v3;
	v49 =	vor.u32 $0x400, v39;
	v16 =	vsel vm0, v44, v16;
	v52 =	vld.idx.msk [tilespmem:v36+s13+$0x0], $0xffff  }
0x18d: {  	vm0 =	vle.f32 v47, v21;
	v44 =	vsub.f32 v27, v54;
	v36 =	vld.idx.msk [tilespmem:v38+s12+$0x0], $0xffff;
	v38 =	vadd.s32 $0x10, v46  }
0x18e: {  	v55 =	vand.u32 $0x1800, v40;
	v47 =	vand.u32 $0x1800, v1;
	v45 =	vld.idx.msk [tilespmem:v45+s13+$0x0], $0xffff;
	v46 =	vsel vm0, v38, v46  }
0x18f: {  	v57 =	vor.u32 v20, v47;
	v38 =	vmul.f32 v44, v44;
	v44 =	vsub.f32 v26, v56;
	v37 =	vld.idx.msk [tilespmem:v37+s12+$0x0], $0xffff  }
0x190: {  	v47 =	vand.u32 $0x1800, v41;
	vm0 =	vle.f32 v42, v34;
	v42 =	vld.idx.msk [tilespmem:v43+s13+$0x0], $0xffff;
	v43 =	vor.u32 v20, v55  }
0x191: {  	v35 =	vadd.f32 v38, v35;
	v44 =	vmul.f32 v44, v44;
	v55 =	vsub.f32 v25, v2;
	v38 =	vld.idx.msk [tilespmem:v16+s12+$0x0], $0xffff  }
0x192: {  	v16 =	vsel vm0, v49, v39;
	vm0 =	vle.f32 v52, v33;
	v49 =	vor.u32 v20, v47  }
0x193: {  	v35 =	vadd.f32 v44, v35;
	v44 =	vmul.f32 v55, v55;
	v52 =	vsub.f32 v24, v36;
	v39 =	vld.idx.msk [tilespmem:v46+s12+$0x0], $0xffff  }
0x194: {  	v47 =	vsel vm0, v53, v3;
	v46 =	vor.u32 $0x1F0, v16;
	vm0 =	vle.f32 v45, v32;
	v3 =	vld.idx.msk [tilespmem:v57+s13+$0x0], $0xffff  }
0x195: {  	v35 =	vadd.f32 v44, v35;
	v44 =	vmul.f32 v52, v52;
	v45 =	vsub.f32 v22, v37  }
0x196: {  	v52 =	vor.u32 $0x1F0, v47;
	v48 =	vsel vm0, v48, v4;
	vm0 =	vle.f32 v42, v30;
	v4 =	vld.idx.msk [tilespmem:v43+s13+$0x0], $0xffff  }
0x197: {  	v35 =	vadd.f32 v44, v35;
	v43 =	vmul.f32 v45, v45;
	v44 =	vsub.f32 v23, v38;
	v42 =	vld.idx.msk [tilespmem:v49+s13+$0x0], $0xffff  }
0x198: {  	v55 =	vor.u32 $0x400, v41;
	v45 =	vor.u32 $0x1F0, v48;
	v49 =	vsel vm0, v50, v51  }
0x199: {  	v35 =	vadd.f32 v43, v35;
	v43 =	vmul.f32 v44, v44;
	v44 =	vsub.f32 v21, v39;
	v57 =	vld.idx.msk [tilespmem:v46+s13+$0x0], $0xffff  }
0x19a: {  	v58 =	vor.u32 $0x1F0, v49;
	vm0 =	vle.f32 v3, v31;
	v3 =	vor.u32 $0x400, v1  }
0x19b: {  	v50 =	vsel vm0, v3, v1;
	v1 =	vadd.f32 v43, v35;
	v3 =	vmul.f32 v44, v44;
	v59 =	vld.idx.msk [tilespmem:v52+s13+$0x0], $0xffff  }
0x19c: {  	v43 =	vor.u32 $0x1F0, v50;
	vm0 =	vle.f32 v4, v29;
	v4 =	vor.u32 $0x400, v40  }
.Ltmp2:
0x19d: {  	v51 =	vsel vm0, v4, v40;
	vm0 =	vle.f32 v42, v28;
	v35 =	vadd.f32 v3, v1;
	v53 =	vld.idx.msk [tilespmem:v45+s13+$0x0], $0xffff;
	(pc) =	sbr.rel @p0 .LBB2_6-.Ltmp2, $4  }
0x19e: {  	v40 =	vsub.f32 v54, v27;
	v52 =	vor.u32 $0x1F0, v51;
	v46 =	vsel vm0, v55, v41  }
0x19f: {  	v1 =	vor.u32 $0x200, v16;
	vm0 =	vle.f32 v57, v34;
	v55 =	vor.u32 $0x1F0, v46;
	v45 =	vld.idx.msk [tilespmem:v58+s13+$0x0], $0xffff  }
0x1a0: {  	v42 =	vsub.f32 v56, v26;
	v41 =	vsub.f32 v2, v25;
	v44 =	vsel vm0, v1, v16  }
0x1a1: {  	v56 =	vor.u32 $0x200, v47;
	v54 =	vadd.s32 $0xF0, v44;
	vm0 =	vle.f32 v59, v33;
	v43 =	vld.idx.msk [tilespmem:v43+s13+$0x0], $0xffff  }
0x1a2: {  	_ =	sdelay $0x3  }
0x1a3: {  	v1 =	vsel vm0, v56, v47;
	v4 =	vld.idx.msk [tilespmem:v52+s13+$0x0], $0xffff  }
0x1a4: {  	vm13 =	vle.f32 v53, v32;
	v3 =	vor.u32 $0x200, v48;
	v16 =	vld.idx.msk [tilespmem:v55+s13+$0x0], $0xffff;
	v2 =	vadd.s32 $0xF0, v1  }
0x1a5: {  	v3 =	vsel vm13, v3, v48  }
0x1a6: {  	v55 =	vor.u32 $0x200, v49;
	v53 =	vadd.s32 $0xF0, v3;
	vm14 =	vle.f32 v45, v30  }
0x1a7: {  	v56 =	vld.idx.msk [tilespmem:v54+s13+$0x0], $0xffff;
	v57 =	vor.u32 $0x200, v50;
	v45 =	vsel vm14, v55, v49;
	vm15 =	vle.f32 v43, v31  }
0x1a8: {  	v49 =	vadd.s32 $0xF0, v45;
	v43 =	vsel vm15, v57, v50  }
0x1a9: {  	vm4 =	vle.f32 v4, v29;
	v4 =	vor.u32 $0x200, v51;
	vm5 =	vle.f32 v16, v28;
	v2 =	vld.idx.msk [tilespmem:v2+s13+$0x0], $0xffff  }
0x1aa: {  	v16 =	vor.u32 $0x200, v46;
	v50 =	vadd.s32 $0xF0, v43;
	v4 =	vsel vm4, v4, v51  }
0x1ab: {  	v16 =	vsel vm5, v16, v46;
	v47 =	vld.idx.msk [tilespmem:v53+s13+$0x0], $0xffff;
	v51 =	vadd.s32 $0xF0, v4  }
0x1ac: {  	v58 =	vadd.s32 $0x100, v44;
	vm6 =	vle.f32 v56, v34;
	v60 =	vadd.s32 $0xF0, v16  }
0x1ad: {  	v44 =	vsel vm6, v58, v44;
	v59 =	vld.idx.msk [tilespmem:v49+s13+$0x0], $0xffff  }
0x1ae: {  	v46 =	vadd.s32 $0x70, v44;
	vm7 =	vle.f32 v2, v33;
	v2 =	vadd.s32 $0x100, v1  }
0x1af: {  	v50 =	vld.idx.msk [tilespmem:v50+s13+$0x0], $0xffff;
	v1 =	vsel vm7, v2, v1  }
0x1b0: {  	v61 =	vadd.s32 $0x100, v3;
	vm8 =	vle.f32 v47, v32;
	v51 =	vld.idx.msk [tilespmem:v51+s13+$0x0], $0xffff;
	v2 =	vadd.s32 $0x70, v1  }
0x1b1: {  	v62 =	vld.idx.msk [tilespmem:v60+s13+$0x0], $0xffff;
	v3 =	vsel vm8, v61, v3  }
0x1b2: {  	v52 =	vadd.s32 $0x100, v45;
	v63 =	vadd.s32 $0x70, v3;
	vm9 =	vle.f32 v59, v30  }
0x1b3: {  	v53 =	vadd.s32 $0x100, v43;
	v46 =	vld.idx.msk [tilespmem:v46+s13+$0x0], $0xffff;
	v45 =	vsel vm9, v52, v45  }
0x1b4: {  	v54 =	vadd.s32 $0x100, v4;
	v48 =	vadd.s32 $0x70, v45;
	vm10 =	vle.f32 v50, v31  }
0x1b5: {  	v56 =	vadd.s32 $0x100, v16;
	v43 =	vsel vm10, v53, v43;
	vm11 =	vle.f32 v51, v29;
	v2 =	vld.idx.msk [tilespmem:v2+s13+$0x0], $0xffff  }
0x1b6: {  	vm12 =	vle.f32 v62, v28;
	v55 =	vadd.s32 $0x70, v43;
	v4 =	vsel vm11, v54, v4  }
0x1b7: {  	v16 =	vsel vm12, v56, v16;
	v49 =	vld.idx.msk [tilespmem:v63+s13+$0x0], $0xffff;
	v50 =	vadd.s32 $0x70, v4  }
0x1b8: {  	v57 =	vadd.s32 $0x80, v44;
	vm13 =	vle.f32 v46, v34;
	v59 =	vadd.s32 $0x70, v16  }
0x1b9: {  	v44 =	vsel vm13, v57, v44;
	v58 =	vld.idx.msk [tilespmem:v48+s13+$0x0], $0xffff  }
0x1ba: {  	v46 =	vadd.s32 $0x30, v44;
	vm14 =	vle.f32 v2, v33;
	v2 =	vadd.s32 $0x80, v1  }
0x1bb: {  	v51 =	vld.idx.msk [tilespmem:v55+s13+$0x0], $0xffff;
	v1 =	vsel vm14, v2, v1  }
0x1bc: {  	v60 =	vadd.s32 $0x80, v3;
	vm15 =	vle.f32 v49, v32;
	v50 =	vld.idx.msk [tilespmem:v50+s13+$0x0], $0xffff;
	v2 =	vadd.s32 $0x30, v1  }
0x1bd: {  	v48 =	vld.idx.msk [tilespmem:v59+s13+$0x0], $0xffff;
	v3 =	vsel vm15, v60, v3  }
0x1be: {  	v61 =	vadd.s32 $0x80, v45;
	v49 =	vadd.s32 $0x30, v3;
	vm4 =	vle.f32 v58, v30  }
0x1bf: {  	v62 =	vadd.s32 $0x80, v43;
	v46 =	vld.idx.msk [tilespmem:v46+s13+$0x0], $0xffff;
	v45 =	vsel vm4, v61, v45  }
0x1c0: {  	v63 =	vadd.s32 $0x80, v4;
	v47 =	vadd.s32 $0x30, v45;
	vm5 =	vle.f32 v51, v31  }
0x1c1: {  	v53 =	vadd.s32 $0x80, v16;
	v43 =	vsel vm5, v62, v43;
	vm6 =	vle.f32 v50, v29;
	v2 =	vld.idx.msk [tilespmem:v2+s13+$0x0], $0xffff  }
0x1c2: {  	vm7 =	vle.f32 v48, v28;
	v51 =	vadd.s32 $0x30, v43;
	v4 =	vsel vm6, v63, v4  }
0x1c3: {  	v16 =	vsel vm7, v53, v16;
	v49 =	vld.idx.msk [tilespmem:v49+s13+$0x0], $0xffff;
	v50 =	vadd.s32 $0x30, v4  }
0x1c4: {  	v54 =	vadd.s32 $0x40, v44;
	vm8 =	vle.f32 v46, v34;
	v48 =	vadd.s32 $0x30, v16  }
0x1c5: {  	v44 =	vsel vm8, v54, v44;
	v47 =	vld.idx.msk [tilespmem:v47+s13+$0x0], $0xffff  }
0x1c6: {  	v46 =	vadd.s32 $0x10, v44;
	vm9 =	vle.f32 v2, v33;
	v2 =	vadd.s32 $0x40, v1  }
0x1c7: {  	v51 =	vld.idx.msk [tilespmem:v51+s13+$0x0], $0xffff;
	v1 =	vsel vm9, v2, v1  }
0x1c8: {  	v55 =	vadd.s32 $0x40, v3;
	vm10 =	vle.f32 v49, v32;
	v50 =	vld.idx.msk [tilespmem:v50+s13+$0x0], $0xffff;
	v2 =	vadd.s32 $0x10, v1  }
0x1c9: {  	v48 =	vld.idx.msk [tilespmem:v48+s13+$0x0], $0xffff;
	v3 =	vsel vm10, v55, v3  }
0x1ca: {  	v56 =	vadd.s32 $0x40, v45;
	v49 =	vadd.s32 $0x10, v3;
	vm11 =	vle.f32 v47, v30  }
0x1cb: {  	v57 =	vadd.s32 $0x40, v43;
	v46 =	vld.idx.msk [tilespmem:v46+s13+$0x0], $0xffff;
	v45 =	vsel vm11, v56, v45  }
0x1cc: {  	v58 =	vadd.s32 $0x40, v4;
	v47 =	vadd.s32 $0x10, v45;
	vm12 =	vle.f32 v51, v31  }
0x1cd: {  	v59 =	vadd.s32 $0x40, v16;
	v43 =	vsel vm12, v57, v43;
	vm13 =	vle.f32 v50, v29;
	v2 =	vld.idx.msk [tilespmem:v2+s13+$0x0], $0xffff  }
0x1ce: {  	vm14 =	vle.f32 v48, v28;
	v51 =	vadd.s32 $0x10, v43;
	v4 =	vsel vm13, v58, v4  }
0x1cf: {  	v16 =	vsel vm14, v59, v16;
	v49 =	vld.idx.msk [tilespmem:v49+s13+$0x0], $0xffff;
	v50 =	vadd.s32 $0x10, v4  }
0x1d0: {  	v60 =	vadd.s32 $0x20, v44;
	vm1 =	vle.f32 v46, v34;
	v61 =	vadd.s32 $0x10, v16  }
0x1d1: {  	v44 =	vsel vm1, v60, v44;
	v47 =	vld.idx.msk [tilespmem:v47+s13+$0x0], $0xffff  }
0x1d2: {  	vm15 =	vle.f32 v2, v33;
	v2 =	vadd.s32 $0x20, v1  }
0x1d3: {  	v62 =	vld.idx.msk [tilespmem:v51+s13+$0x0], $0xffff;
	v1 =	vsel vm15, v2, v1  }
0x1d4: {  	vm4 =	vle.f32 v49, v32;
	v2 =	vadd.s32 $0x20, v3;
	v63 =	vld.idx.msk [tilespmem:v50+s13+$0x0], $0xffff  }
0x1d5: {  	v46 =	vld.idx.msk [tilespmem:v61+s13+$0x0], $0xffff;
	v2 =	vsel vm4, v2, v3  }
0x1d6: {  	v51 =	vadd.s32 $0x20, v45;
	v3 =	vld.idx.msk [tilespmem:v44+s13+$0x0], $0xffff;
	vm5 =	vle.f32 v47, v30  }
0x1d7: {  	v45 =	vsel vm5, v51, v45  }
0x1d8: {  	v53 =	vadd.s32 $0x20, v43;
	vm6 =	vle.f32 v62, v31;
	v52 =	vld.idx.msk [tilespmem:v1+s13+$0x0], $0xffff  }
0x1d9: {  	v55 =	vadd.s32 $0x20, v4;
	v43 =	vsel vm6, v53, v43;
	vm7 =	vle.f32 v63, v29  }
0x1da: {  	v56 =	vadd.s32 $0x20, v16;
	vm9 =	vle.f32 v46, v28;
	v54 =	vld.idx.msk [tilespmem:v2+s13+$0x0], $0xffff;
	v4 =	vsel vm7, v55, v4  }
0x1db: {  	vm8 =	vle.f32 v3, v34;
	v3 =	vadd.s32 $0x10, v44;
	v16 =	vsel vm9, v56, v16  }
0x1dc: {  	v3 =	vsel vm8, v3, v44;
	v57 =	vld.idx.msk [tilespmem:v45+s13+$0x0], $0xffff  }
0x1dd: {  	v58 =	vadd.s32 $0x10, v1;
	vm10 =	vle.f32 v52, v33  }
0x1de: {  	v59 =	vld.idx.msk [tilespmem:v43+s13+$0x0], $0xffff;
	v1 =	vsel vm10, v58, v1  }
0x1df: {  	v60 =	vadd.s32 $0x10, v2;
	vm11 =	vle.f32 v54, v32;
	v61 =	vld.idx.msk [tilespmem:v4+s13+$0x0], $0xffff  }
0x1e0: {  	v36 =	vsub.f32 v36, v24;
	v37 =	vsub.f32 v37, v22;
	v63 =	vld.idx.msk [tilespmem:v16+s13+$0x0], $0xffff;
	v2 =	vsel vm11, v60, v2  }
0x1e1: {  	v38 =	vsub.f32 v38, v23;
	v62 =	vadd.s32 $0x10, v45;
	v3 =	vld.idx.msk [tilespmem:v3+s12+$0x0], $0xffff;
	vm12 =	vle.f32 v57, v30  }
0x1e2: {  	v39 =	vsub.f32 v39, v21;
	v27 =	vadd.f32 v40, v27;
	v44 =	vsel vm12, v62, v45  }
0x1e3: {  	v26 =	vadd.f32 v42, v26;
	v49 =	vadd.s32 $0x10, v43;
	vm13 =	vle.f32 v59, v31;
	v1 =	vld.idx.msk [tilespmem:v1+s12+$0x0], $0xffff  }
0x1e4: {  	v25 =	vadd.f32 v41, v25;
	v24 =	vadd.f32 v36, v24;
	v43 =	vsel vm13, v49, v43  }
0x1e5: {  	v50 =	vadd.s32 $0x10, v4;
	v52 =	vadd.s32 $0x10, v16;
	vm14 =	vle.f32 v61, v29;
	v2 =	vld.idx.msk [tilespmem:v2+s12+$0x0], $0xffff  }
0x1e6: {  	vm15 =	vle.f32 v63, v28;
	v51 =	vsub.f32 v34, v3;
	v4 =	vsel vm14, v50, v4  }
0x1e7: {  	v22 =	vadd.f32 v37, v22;
	v16 =	vsel vm15, v52, v16;
	v3 =	vsub.f32 v3, v34;
	v44 =	vld.idx.msk [tilespmem:v44+s12+$0x0], $0xffff  }
0x1e8: {  	s17 =	sadd.s32 $0x70, s18;
	v23 =	vadd.f32 v38, v23;
	v46 =	vmul.f32 v51, v51;
	v53 =	vsub.f32 v33, v1  }
0x1e9: {  	[tilespmem:s17+$0xFFFFFFD0] =	vst v27;
	v21 =	vadd.f32 v39, v21;
	v3 =	vadd.f32 v3, v34;
	v43 =	vld.idx.msk [tilespmem:v43+s12+$0x0], $0xffff  }
0x1ea: {  	[tilespmem:s17+$0xFFFFFFE0] =	vst v26;
	v35 =	vadd.f32 v46, v35;
	v55 =	vsub.f32 v32, v2;
	v54 =	vmul.f32 v53, v53  }
0x1eb: {  	[tilespmem:s17+$0xFFFFFFF0] =	vst v25;
	v1 =	vsub.f32 v1, v33;
	v4 =	vld.idx.msk [tilespmem:v4+s12+$0x0], $0xffff;
	v2 =	vsub.f32 v2, v32  }
0x1ec: {  	v16 =	vld.idx.msk [tilespmem:v16+s12+$0x0], $0xffff;
	v56 =	vmul.f32 v55, v55;
	v57 =	vsub.f32 v30, v44;
	v35 =	vadd.f32 v54, v35  }
0x1ed: {  	[tilespmem:s17+$0x30] =	vst v21;
	v1 =	vadd.f32 v1, v33;
	v21 =	vsub.f32 v44, v30  }
0x1ee: {  	[tilespmem:s17+$0x0] =	vst v24;
	v58 =	vmul.f32 v57, v57;
	v59 =	vsub.f32 v31, v43;
	v35 =	vadd.f32 v56, v35  }
0x1ef: {  	[tilespmem:s17+$0x20] =	vst v23;
	v2 =	vadd.f32 v2, v32;
	v23 =	vsub.f32 v43, v31  }
0x1f0: {  	[tilespmem:s17+$0x10] =	vst v22;
	s17 =	sadd.s32 $0x70, s17;
	v62 =	vsub.f32 v29, v4;
	v61 =	vmul.f32 v59, v59;
	v60 =	vadd.f32 v58, v35  }
0x1f1: {  	[tilespmem:s17+$0xFFFFFFD0] =	vst v3;
	v21 =	vadd.f32 v21, v30;
	v22 =	vsub.f32 v28, v16  }
0x1f2: {  	[tilespmem:s17+$0xFFFFFFE0] =	vst v1;
	v4 =	vsub.f32 v4, v29;
	v3 =	vmul.f32 v62, v62;
	v63 =	vadd.f32 v61, v60  }
0x1f3: {  	[tilespmem:s17+$0xFFFFFFF0] =	vst v2;
	v1 =	vsub.f32 v16, v28;
	v2 =	vadd.f32 v23, v31  }
0x1f4: {  	[tilespmem:s17+$0x0] =	vst v21;
	v16 =	vmul.f32 v22, v22;
	v4 =	vadd.f32 v4, v29;
	v3 =	vadd.f32 v3, v63  }
0x1f5: {  	v1 =	vadd.f32 v1, v28;
	[tilespmem:s17+$0x10] =	vst v2  }
0x1f6: {  	[tilespmem:s17+$0x20] =	vst v4;
	v2 =	vadd.f32 v16, v3  }
0x1f7: {  	[tilespmem:s17+$0x30] =	vst v1  }
0x1f8: {  	[tilespmem:$0x7500] =	vst v2  }
0x1f9: {  	[hbm4b:s6+s4] =	stream.linear.scatter [tilespmem:s14], [sflag:$0x1], $0x1880, $0x38;
	[tilespmem:$0x7580] =	vst v63  }
0x1fa: {  	_ =	swait.ge [sflag:s9], $0x1880  }
0x1fb: {  	s16 =	sadd.s32 $0x1, s16;
	[sflag:s9] =	ssyncset.done $0x0  }
0x1fc: {  	p0 =	sne.s32 s16, s8;
	[sflag:s9] =	ssyncadd.s32 $0xFFFFE780  }
0x1fd: {  	[hbm4b:s7+s4] =	stream.linear.scatter [tilespmem:s15], [sflag:$0x1], $0x10, $0x38;
	[tilespmem:$0x7580] =	vst v63  }
.Ltmp3:
0x1fe: {  	_ =	swait.ge [sflag:s9], $0x10;
	(pc) =	sbr.rel @p0 .LBB2_1-.Ltmp3, $4  }
0x1ff: {  	v1 =	vld [tilespmem:$0x1FFC0]  }
0x200: {  	v2 =	vld [tilespmem:$0x1FFD0]  }
0x201: {  	[sflag:s9] =	ssyncset.done $0x0;
	v3 =	vld [tilespmem:$0x1FFE0]  }
0x202: {  	v4 =	vld [tilespmem:$0x1FFF0];
	[sflag:s9] =	ssyncadd.s32 $0xFFFFFFF0  }
0x203: {  	_ =	sfence.sel $0x180000  }
0x204: {  	[bflag:$0x0] =	sbarrier.arrive $0xFFFF  }
0x205: {  	p0 =	sne.s32 s2, $0x0;
	_ =	strace $0x90000047  }
0x206: {  	s0 =	sadd.s32 @!p0 $0x100000, s3;
	[bflag:$0x2] =	sbarrier.arrive $0xFFFF  }
0x207: {  	[sflag:s0] =	ssyncadd.tile.s32 @!p0 $0x1;
	_ =	shalt  }
.Lfunc_end2:
_tile_overlayer_lowered:
.L_overlay_start_2:
0x208: {  	(tag) =	ssettag $0x2  }
0x209: {  	s0 =	rddreg [dreg:$0x0];
	s2 =	stileid.u32  }
0x20a: {  	s1 =	rddreg [dreg:$0x1];
	p0 =	sne.s32 s2, $0x0  }
0x20b: {  	s3 =	rddreg [dreg:$0x2];
	[bflag:$0x3] =	sbarrier.arrive $0xFFFF;
	s2 =	simm.s32 @!p0 $0x1C01  }
0x20c: {  	[timem:s3], [sflag:s2] =	dma.local @!p0 [hbm:s0], s1  }
0x20d: {  	s0 =	simm.s32 @!p0 $0x1  }
0x20e: {  	_ =	swait.ge @!p0 [sflag:s0], s1  }
0x20f: {  	s1 =	ssub.s32 @!p0 $0x0, s1;
	[sflag:s0] =	ssyncset.done @!p0 $0x0  }
0x210: {  	[sflag:s0] =	ssyncadd.s32 @!p0 s1  }
0x211: {  	[bflag:$0x3] =	sbarrier.arrive $0xFFFF  }
0x212: {  	_ =	shalt  }

</sc_bundles>
